<compile_context>
chip_gen: v7x
topology: tpu7x:2x2x1
jax: 0.10.2.dev20260603
libtpu: 0.0.44.dev20260713+nightly
codegen_flags: <defaults>
</compile_context>

<pallas_src>
import functools

import jax
import jax.numpy as jnp
from jax import lax
from jax.experimental import pallas as pl
from jax.experimental.pallas import tpu as pltpu
from jax.experimental.pallas import tpu_sc as plsc

BATCH = 4096
SEQ = 200
DIM = 64
NUM_WORKERS = 32
B_PER_W = BATCH // NUM_WORKERS
LANES = 16
VECS = DIM // LANES


def _bow_body(idx_hbm, table_hbm, out_hbm, idx_v, rows0, rows1, rows2, rows3,
              out_v, sem0, sem1, sem2, sem3):
    wid = lax.axis_index("s") * 2 + lax.axis_index("c")

    pltpu.sync_copy(idx_hbm.at[pl.ds(wid * B_PER_W * SEQ, B_PER_W * SEQ)],
                    idx_v)

    bufs = (rows0, rows1, rows2, rows3)
    sems = (sem0, sem1, sem2, sem3)
    for p in range(4):
        pltpu.async_copy(table_hbm.at[idx_v.at[pl.ds(p * SEQ, SEQ)]],
                         bufs[p], sems[p])

    def accumulate(buf, accs):
        def r_body(r, a):
            a = [x + buf[2 * r, pl.ds(d * LANES, LANES)]
                 for d, x in enumerate(a)]
            return tuple(x + buf[2 * r + 1, pl.ds(d * LANES, LANES)]
                         for d, x in enumerate(a))
        return lax.fori_loop(0, SEQ // 2, r_body, accs)

    def b_body(b, carry):
        for p in range(4):
            buf, sem = bufs[p], sems[p]
            bb = 4 * b + p
            pltpu.make_async_copy(table_hbm.at[idx_v.at[pl.ds(0, SEQ)]],
                                  buf, sem).wait()
            accs = tuple(jnp.zeros((LANES,), jnp.float32)
                         for _ in range(VECS))
            accs = accumulate(buf, accs)
            for d in range(VECS):
                out_v[bb, pl.ds(d * LANES, LANES)] = accs[d]
            nxt = bb + 4

            @pl.when(nxt < B_PER_W)
            def _():
                pltpu.async_copy(table_hbm.at[idx_v.at[pl.ds(nxt * SEQ, SEQ)]],
                                 buf, sem)

        return carry

    lax.fori_loop(0, B_PER_W // 4, b_body, 0)

    pltpu.sync_copy(out_v, out_hbm.at[pl.ds(wid * B_PER_W, B_PER_W)])


@functools.partial(
    pl.kernel,
    mesh=plsc.VectorSubcoreMesh(core_axis_name="c", subcore_axis_name="s"),
    out_type=jax.ShapeDtypeStruct((BATCH, DIM), jnp.float32),
    scratch_types=[
        pltpu.VMEM((B_PER_W * SEQ,), jnp.int32),
        pltpu.VMEM((SEQ, DIM), jnp.float32),
        pltpu.VMEM((SEQ, DIM), jnp.float32),
        pltpu.VMEM((SEQ, DIM), jnp.float32),
        pltpu.VMEM((SEQ, DIM), jnp.float32),
        pltpu.VMEM((B_PER_W, DIM), jnp.float32),
        pltpu.SemaphoreType.DMA,
        pltpu.SemaphoreType.DMA,
        pltpu.SemaphoreType.DMA,
        pltpu.SemaphoreType.DMA,
    ],
    compiler_params=pltpu.CompilerParams(use_tc_tiling_on_sc=False),
)
def _bow_sc(idx_hbm, table_hbm, out_hbm, idx_v, rows0, rows1, rows2, rows3,
            out_v, sem0, sem1, sem2, sem3):
    _bow_body(idx_hbm, table_hbm, out_hbm, idx_v, rows0, rows1, rows2, rows3,
              out_v, sem0, sem1, sem2, sem3)


@jax.jit
def kernel(indices, table):
    return _bow_sc(indices.astype(jnp.int32).reshape(-1), table)

# --- scband reference (transcript-rebuilt; emitter-appended) ---
"""Pipeline reference for scband-bow-encoder-10694468567753 (READ-ONLY COPY).

The authoritative reference and input builder live on the scoring server;
editing this copy changes nothing except your own understanding.
"""

import jax, jax.numpy as jnp
import numpy as np

VOCAB = 1000000
EMBED_DIM = 64
BATCH = 4096
SEQ_LEN = 200

def setup_inputs(seed: int = 0) -> dict:
    key = jax.random.key(seed)
    k_idx, k_tab = jax.random.split(key)
    indices = jax.random.randint(k_idx, (BATCH, SEQ_LEN), 0, VOCAB, dtype=jnp.int64 if jax.config.jax_enable_x64 else jnp.int32)
    table = jax.random.normal(k_tab, (VOCAB, EMBED_DIM), dtype=jnp.float32) * 0.02
    return {"indices": indices, "table": table}

def reference(indices, table):
    # embedder: embedding lookup -> [B, L, D]
    embeddings = jnp.take(table, indices, axis=0)
    # dropout with p=0.0 is identity (eval mode)
    # aggregation_type == 'sum': sum over sequence dim
    out = jnp.sum(embeddings, axis=1)
    return out

if __name__ == "__main__":
    import jax
    _d = setup_inputs()
    print(jax.jit(kernel)(*tuple(_d.values())))

</pallas_src>

<mosaic_0001>
#map = affine_map<(d0, d1) -> (0)>
#map1 = affine_map<(d0, d1) -> (0, 0)>
module attributes {stable_mosaic.version = 14 : i64} {
  func.func @_bow_sc(%arg0: i32, %arg1: i32, %arg2: memref<819200xi32, #tpu.memory_space<hbm>>, %arg3: memref<1000000x64xf32, #tpu.memory_space<hbm>>, %arg4: memref<4096x64xf32, #tpu.memory_space<hbm>>, %arg5: memref<25600xi32, #tpu.memory_space<vmem>>, %arg6: memref<200x64xf32, #tpu.memory_space<vmem>>, %arg7: memref<200x64xf32, #tpu.memory_space<vmem>>, %arg8: memref<200x64xf32, #tpu.memory_space<vmem>>, %arg9: memref<200x64xf32, #tpu.memory_space<vmem>>, %arg10: memref<128x64xf32, #tpu.memory_space<vmem>>, %arg11: memref<!tpu.dma_semaphore, #tpu.memory_space<semaphore_mem>>, %arg12: memref<!tpu.dma_semaphore, #tpu.memory_space<semaphore_mem>>, %arg13: memref<!tpu.dma_semaphore, #tpu.memory_space<semaphore_mem>>, %arg14: memref<!tpu.dma_semaphore, #tpu.memory_space<semaphore_mem>>) attributes {dimension_semantics = [#tpu.dimension_semantics<core_parallel>, #tpu.dimension_semantics<subcore_parallel>], iteration_bounds = array<i64: 2, 16>, scalar_prefetch = 0 : i64, scratch_operands = 10 : i64, tpu.core_type = #tpu.core_type<sc_vector_subcore>, window_params = [{transform_indices = #map}, {transform_indices = #map1}, {transform_indices = #map1}]} {
    %mul3A = arith.constant 2 : i32
    %mul3A_0 = arith.muli %arg1, %mul3A : i32
    %add3A = arith.addi %mul3A_0, %arg0 : i32
    %mul3A_1 = arith.constant 128 : i32
    %mul3A_2 = arith.muli %add3A, %mul3A_1 : i32
    %mul3A_3 = arith.constant 200 : i32
    %mul3A_4 = arith.muli %mul3A_2, %mul3A_3 : i32
    "tpu.region"() ({
      %run_scoped3A = tpu.sem_alloc : memref<!tpu.dma_semaphore, #tpu.memory_space<semaphore_mem>>
      %dma_start3A_31 = tpu.memref_slice %arg2[%mul3A_4] : memref<819200xi32, #tpu.memory_space<hbm>> -> memref<25600xi32, #tpu.memory_space<hbm>>
      %dma_start3A_32 = tpu.memref_slice %arg2[%mul3A_4] : memref<819200xi32, #tpu.memory_space<hbm>> -> memref<25600xi32, #tpu.memory_space<hbm>>
      tpu.enqueue_dma source(%dma_start3A_32 : memref<25600xi32, #tpu.memory_space<hbm>>) target(%arg5 : memref<25600xi32, #tpu.memory_space<vmem>>) target_semaphore(%run_scoped3A : memref<!tpu.dma_semaphore, #tpu.memory_space<semaphore_mem>>)
      %dma_wait3A = tpu.memref_slice %arg2[%mul3A_4] : memref<819200xi32, #tpu.memory_space<hbm>> -> memref<25600xi32, #tpu.memory_space<hbm>>
      %dma_wait3A_33 = tpu.memref_slice %arg2[%mul3A_4] : memref<819200xi32, #tpu.memory_space<hbm>> -> memref<25600xi32, #tpu.memory_space<hbm>>
      tpu.wait_dma2 semaphore(%run_scoped3A : memref<!tpu.dma_semaphore, #tpu.memory_space<semaphore_mem>>) src(%dma_wait3A_33 : memref<25600xi32, #tpu.memory_space<hbm>>) dst(%arg5 : memref<25600xi32, #tpu.memory_space<vmem>>)
      tpu.yield
    }) : () -> ()
    %dma_start3A = arith.constant 0 : i32
    %dma_start3A_5 = tpu.memref_slice %arg5[%dma_start3A] : memref<25600xi32, #tpu.memory_space<vmem>> -> memref<200xi32, #tpu.memory_space<vmem>>
    %dma_start3A_6 = arith.constant 0 : i32
    %dma_start3A_7 = arith.constant 0 : i32
    %dma_start3A_8 = tpu.memref_slice %arg3[%dma_start3A_6, %dma_start3A_7] : memref<1000000x64xf32, #tpu.memory_space<hbm>> -> memref<1000000x64xf32, #tpu.memory_space<hbm>>
    tpu.enqueue_indirect_dma source(%dma_start3A_8 : memref<1000000x64xf32, #tpu.memory_space<hbm>>) target(%arg6 : memref<200x64xf32, #tpu.memory_space<vmem>>) offsets(%dma_start3A_5 : memref<200xi32, #tpu.memory_space<vmem>>) semaphore(%arg11 : memref<!tpu.dma_semaphore, #tpu.memory_space<semaphore_mem>>)
    %dma_start3A_9 = arith.constant 200 : i32
    %dma_start3A_10 = tpu.memref_slice %arg5[%dma_start3A_9] : memref<25600xi32, #tpu.memory_space<vmem>> -> memref<200xi32, #tpu.memory_space<vmem>>
    %dma_start3A_11 = arith.constant 0 : i32
    %dma_start3A_12 = arith.constant 0 : i32
    %dma_start3A_13 = tpu.memref_slice %arg3[%dma_start3A_11, %dma_start3A_12] : memref<1000000x64xf32, #tpu.memory_space<hbm>> -> memref<1000000x64xf32, #tpu.memory_space<hbm>>
    tpu.enqueue_indirect_dma source(%dma_start3A_13 : memref<1000000x64xf32, #tpu.memory_space<hbm>>) target(%arg7 : memref<200x64xf32, #tpu.memory_space<vmem>>) offsets(%dma_start3A_10 : memref<200xi32, #tpu.memory_space<vmem>>) semaphore(%arg12 : memref<!tpu.dma_semaphore, #tpu.memory_space<semaphore_mem>>)
    %dma_start3A_14 = arith.constant 400 : i32
    %dma_start3A_15 = tpu.memref_slice %arg5[%dma_start3A_14] : memref<25600xi32, #tpu.memory_space<vmem>> -> memref<200xi32, #tpu.memory_space<vmem>>
    %dma_start3A_16 = arith.constant 0 : i32
    %dma_start3A_17 = arith.constant 0 : i32
    %dma_start3A_18 = tpu.memref_slice %arg3[%dma_start3A_16, %dma_start3A_17] : memref<1000000x64xf32, #tpu.memory_space<hbm>> -> memref<1000000x64xf32, #tpu.memory_space<hbm>>
    tpu.enqueue_indirect_dma source(%dma_start3A_18 : memref<1000000x64xf32, #tpu.memory_space<hbm>>) target(%arg8 : memref<200x64xf32, #tpu.memory_space<vmem>>) offsets(%dma_start3A_15 : memref<200xi32, #tpu.memory_space<vmem>>) semaphore(%arg13 : memref<!tpu.dma_semaphore, #tpu.memory_space<semaphore_mem>>)
    %dma_start3A_19 = arith.constant 600 : i32
    %dma_start3A_20 = tpu.memref_slice %arg5[%dma_start3A_19] : memref<25600xi32, #tpu.memory_space<vmem>> -> memref<200xi32, #tpu.memory_space<vmem>>
    %dma_start3A_21 = arith.constant 0 : i32
    %dma_start3A_22 = arith.constant 0 : i32
    %dma_start3A_23 = tpu.memref_slice %arg3[%dma_start3A_21, %dma_start3A_22] : memref<1000000x64xf32, #tpu.memory_space<hbm>> -> memref<1000000x64xf32, #tpu.memory_space<hbm>>
    tpu.enqueue_indirect_dma source(%dma_start3A_23 : memref<1000000x64xf32, #tpu.memory_space<hbm>>) target(%arg9 : memref<200x64xf32, #tpu.memory_space<vmem>>) offsets(%dma_start3A_20 : memref<200xi32, #tpu.memory_space<vmem>>) semaphore(%arg14 : memref<!tpu.dma_semaphore, #tpu.memory_space<semaphore_mem>>)
    %scan3A = arith.constant 0 : i32
    %scan3A_24 = arith.constant 0 : i32
    %scan3A_25 = arith.constant 32 : i32
    %scan3A_26 = arith.addi %scan3A_24, %scan3A_25 : i32
    %scan3A_27 = arith.constant 1 : i32
    scf.for %scan3A_31 = %scan3A_24 to %scan3A_26 step %scan3A_27  : i32 {
      %mul3A_32 = arith.constant 4 : i32
      %mul3A_33 = arith.muli %mul3A_32, %scan3A_31 : i32
      %add3A_34 = arith.constant 0 : i32
      %add3A_35 = arith.addi %mul3A_33, %add3A_34 : i32
      %dma_wait3A = arith.constant 0 : i32
      %dma_wait3A_36 = tpu.memref_slice %arg5[%dma_wait3A] : memref<25600xi32, #tpu.memory_space<vmem>> -> memref<200xi32, #tpu.memory_space<vmem>>
      %dma_wait3A_37 = arith.constant 0 : i32
      %dma_wait3A_38 = arith.constant 0 : i32
      %dma_wait3A_39 = tpu.memref_slice %arg3[%dma_wait3A_37, %dma_wait3A_38] : memref<1000000x64xf32, #tpu.memory_space<hbm>> -> memref<1000000x64xf32, #tpu.memory_space<hbm>>
      tpu.wait_indirect_dma semaphore(%arg11 : memref<!tpu.dma_semaphore, #tpu.memory_space<semaphore_mem>>) src(%dma_wait3A_39 : memref<1000000x64xf32, #tpu.memory_space<hbm>>) dst(%arg6 : memref<200x64xf32, #tpu.memory_space<vmem>>)
      %broadcast_in_dim3A = arith.constant 0.000000e+00 : f32
      %broadcast_in_dim3A_40 = vector.broadcast %broadcast_in_dim3A : f32 to vector<16xf32>
      %broadcast_in_dim3A_41 = arith.constant 0.000000e+00 : f32
      %broadcast_in_dim3A_42 = vector.broadcast %broadcast_in_dim3A_41 : f32 to vector<16xf32>
      %broadcast_in_dim3A_43 = arith.constant 0.000000e+00 : f32
      %broadcast_in_dim3A_44 = vector.broadcast %broadcast_in_dim3A_43 : f32 to vector<16xf32>
      %broadcast_in_dim3A_45 = arith.constant 0.000000e+00 : f32
      %broadcast_in_dim3A_46 = vector.broadcast %broadcast_in_dim3A_45 : f32 to vector<16xf32>
      %scan3A_47 = arith.constant 0 : i32
      %scan3A_48 = arith.constant 100 : i32
      %scan3A_49 = arith.addi %scan3A_47, %scan3A_48 : i32
      %scan3A_50 = arith.constant 1 : i32
      %scan3A_51:4 = scf.for %scan3A_226 = %scan3A_47 to %scan3A_49 step %scan3A_50 iter_args(%scan3A_227 = %broadcast_in_dim3A_40, %scan3A_228 = %broadcast_in_dim3A_42, %scan3A_229 = %broadcast_in_dim3A_44, %scan3A_230 = %broadcast_in_dim3A_46) -> (vector<16xf32>, vector<16xf32>, vector<16xf32>, vector<16xf32>)  : i32 {
        %mul3A_231 = arith.constant 2 : i32
        %mul3A_232 = arith.muli %mul3A_231, %scan3A_226 : i32
        %get3A = arith.index_cast %mul3A_232 : i32 to index
        %get3A_233 = arith.constant 0 : index
        %get3A_234 = tpu.vector_load %arg6[%get3A, %get3A_233] {strides = array<i32>} : memref<200x64xf32, #tpu.memory_space<vmem>>, vector<1x16xf32>,
        %get3A_235 = vector.shape_cast %get3A_234 : vector<1x16xf32> to vector<16xf32>
        %add3A_236 = arith.addf %scan3A_227, %get3A_235 : vector<16xf32>
        %mul3A_237 = arith.constant 2 : i32
        %mul3A_238 = arith.muli %mul3A_237, %scan3A_226 : i32
        %get3A_239 = arith.index_cast %mul3A_238 : i32 to index
        %get3A_240 = arith.constant 16 : index
        %get3A_241 = tpu.vector_load %arg6[%get3A_239, %get3A_240] {strides = array<i32>} : memref<200x64xf32, #tpu.memory_space<vmem>>, vector<1x16xf32>,
        %get3A_242 = vector.shape_cast %get3A_241 : vector<1x16xf32> to vector<16xf32>
        %add3A_243 = arith.addf %scan3A_228, %get3A_242 : vector<16xf32>
        %mul3A_244 = arith.constant 2 : i32
        %mul3A_245 = arith.muli %mul3A_244, %scan3A_226 : i32
        %get3A_246 = arith.index_cast %mul3A_245 : i32 to index
        %get3A_247 = arith.constant 32 : index
        %get3A_248 = tpu.vector_load %arg6[%get3A_246, %get3A_247] {strides = array<i32>} : memref<200x64xf32, #tpu.memory_space<vmem>>, vector<1x16xf32>,
        %get3A_249 = vector.shape_cast %get3A_248 : vector<1x16xf32> to vector<16xf32>
        %add3A_250 = arith.addf %scan3A_229, %get3A_249 : vector<16xf32>
        %mul3A_251 = arith.constant 2 : i32
        %mul3A_252 = arith.muli %mul3A_251, %scan3A_226 : i32
        %get3A_253 = arith.index_cast %mul3A_252 : i32 to index
        %get3A_254 = arith.constant 48 : index
        %get3A_255 = tpu.vector_load %arg6[%get3A_253, %get3A_254] {strides = array<i32>} : memref<200x64xf32, #tpu.memory_space<vmem>>, vector<1x16xf32>,
        %get3A_256 = vector.shape_cast %get3A_255 : vector<1x16xf32> to vector<16xf32>
        %add3A_257 = arith.addf %scan3A_230, %get3A_256 : vector<16xf32>
        %mul3A_258 = arith.constant 2 : i32
        %mul3A_259 = arith.muli %mul3A_258, %scan3A_226 : i32
        %add3A_260 = arith.constant 1 : i32
        %add3A_261 = arith.addi %mul3A_259, %add3A_260 : i32
        %get3A_262 = arith.index_cast %add3A_261 : i32 to index
        %get3A_263 = arith.constant 0 : index
        %get3A_264 = tpu.vector_load %arg6[%get3A_262, %get3A_263] {strides = array<i32>} : memref<200x64xf32, #tpu.memory_space<vmem>>, vector<1x16xf32>,
        %get3A_265 = vector.shape_cast %get3A_264 : vector<1x16xf32> to vector<16xf32>
        %add3A_266 = arith.addf %add3A_236, %get3A_265 : vector<16xf32>
        %mul3A_267 = arith.constant 2 : i32
        %mul3A_268 = arith.muli %mul3A_267, %scan3A_226 : i32
        %add3A_269 = arith.constant 1 : i32
        %add3A_270 = arith.addi %mul3A_268, %add3A_269 : i32
        %get3A_271 = arith.index_cast %add3A_270 : i32 to index
        %get3A_272 = arith.constant 16 : index
        %get3A_273 = tpu.vector_load %arg6[%get3A_271, %get3A_272] {strides = array<i32>} : memref<200x64xf32, #tpu.memory_space<vmem>>, vector<1x16xf32>,
        %get3A_274 = vector.shape_cast %get3A_273 : vector<1x16xf32> to vector<16xf32>
        %add3A_275 = arith.addf %add3A_243, %get3A_274 : vector<16xf32>
        %mul3A_276 = arith.constant 2 : i32
        %mul3A_277 = arith.muli %mul3A_276, %scan3A_226 : i32
        %add3A_278 = arith.constant 1 : i32
        %add3A_279 = arith.addi %mul3A_277, %add3A_278 : i32
        %get3A_280 = arith.index_cast %add3A_279 : i32 to index
        %get3A_281 = arith.constant 32 : index
        %get3A_282 = tpu.vector_load %arg6[%get3A_280, %get3A_281] {strides = array<i32>} : memref<200x64xf32, #tpu.memory_space<vmem>>, vector<1x16xf32>,
        %get3A_283 = vector.shape_cast %get3A_282 : vector<1x16xf32> to vector<16xf32>
        %add3A_284 = arith.addf %add3A_250, %get3A_283 : vector<16xf32>
        %mul3A_285 = arith.constant 2 : i32
        %mul3A_286 = arith.muli %mul3A_285, %scan3A_226 : i32
        %add3A_287 = arith.constant 1 : i32
        %add3A_288 = arith.addi %mul3A_286, %add3A_287 : i32
        %get3A_289 = arith.index_cast %add3A_288 : i32 to index
        %get3A_290 = arith.constant 48 : index
        %get3A_291 = tpu.vector_load %arg6[%get3A_289, %get3A_290] {strides = array<i32>} : memref<200x64xf32, #tpu.memory_space<vmem>>, vector<1x16xf32>,
        %get3A_292 = vector.shape_cast %get3A_291 : vector<1x16xf32> to vector<16xf32>
        %add3A_293 = arith.addf %add3A_257, %get3A_292 : vector<16xf32>
        scf.yield %add3A_266, %add3A_275, %add3A_284, %add3A_293 : vector<16xf32>, vector<16xf32>, vector<16xf32>, vector<16xf32>
      }
      %scan3A_52 = arith.constant 100 : i32
      %swap3A = arith.index_cast %add3A_35 : i32 to index
      %swap3A_53 = arith.constant 0 : index
      %swap3A_54 = tpu.vector_load %arg10[%swap3A, %swap3A_53] {strides = array<i32>} : memref<128x64xf32, #tpu.memory_space<vmem>>, vector<1x16xf32>,
      %swap3A_55 = vector.shape_cast %swap3A_54 : vector<1x16xf32> to vector<16xf32>
      %swap3A_56 = vector.shape_cast %scan3A_51#0 : vector<16xf32> to vector<1x16xf32>
      tpu.vector_store %arg10[%swap3A, %swap3A_53], %swap3A_56 {strides = array<i32>} : memref<128x64xf32, #tpu.memory_space<vmem>>, vector<1x16xf32>,
      %swap3A_57 = arith.index_cast %add3A_35 : i32 to index
      %swap3A_58 = arith.constant 16 : index
      %swap3A_59 = tpu.vector_load %arg10[%swap3A_57, %swap3A_58] {strides = array<i32>} : memref<128x64xf32, #tpu.memory_space<vmem>>, vector<1x16xf32>,
      %swap3A_60 = vector.shape_cast %swap3A_59 : vector<1x16xf32> to vector<16xf32>
      %swap3A_61 = vector.shape_cast %scan3A_51#1 : vector<16xf32> to vector<1x16xf32>
      tpu.vector_store %arg10[%swap3A_57, %swap3A_58], %swap3A_61 {strides = array<i32>} : memref<128x64xf32, #tpu.memory_space<vmem>>, vector<1x16xf32>,
      %swap3A_62 = arith.index_cast %add3A_35 : i32 to index
      %swap3A_63 = arith.constant 32 : index
      %swap3A_64 = tpu.vector_load %arg10[%swap3A_62, %swap3A_63] {strides = array<i32>} : memref<128x64xf32, #tpu.memory_space<vmem>>, vector<1x16xf32>,
      %swap3A_65 = vector.shape_cast %swap3A_64 : vector<1x16xf32> to vector<16xf32>
      %swap3A_66 = vector.shape_cast %scan3A_51#2 : vector<16xf32> to vector<1x16xf32>
      tpu.vector_store %arg10[%swap3A_62, %swap3A_63], %swap3A_66 {strides = array<i32>} : memref<128x64xf32, #tpu.memory_space<vmem>>, vector<1x16xf32>,
      %swap3A_67 = arith.index_cast %add3A_35 : i32 to index
      %swap3A_68 = arith.constant 48 : index
      %swap3A_69 = tpu.vector_load %arg10[%swap3A_67, %swap3A_68] {strides = array<i32>} : memref<128x64xf32, #tpu.memory_space<vmem>>, vector<1x16xf32>,
      %swap3A_70 = vector.shape_cast %swap3A_69 : vector<1x16xf32> to vector<16xf32>
      %swap3A_71 = vector.shape_cast %scan3A_51#3 : vector<16xf32> to vector<1x16xf32>
      tpu.vector_store %arg10[%swap3A_67, %swap3A_68], %swap3A_71 {strides = array<i32>} : memref<128x64xf32, #tpu.memory_space<vmem>>, vector<1x16xf32>,
      %add3A_72 = arith.constant 4 : i32
      %add3A_73 = arith.addi %add3A_35, %add3A_72 : i32
      %lt3A = arith.constant 128 : i32
      %lt3A_74 = arith.cmpi slt, %add3A_73, %lt3A : i32
      %convert_element_type3A = arith.extui %lt3A_74 : i1 to i32
      %cond3A = arith.constant 0 : i32
      %cond3A_75 = arith.cmpi ne, %convert_element_type3A, %cond3A : i32
      scf.if %cond3A_75 {
        %mul3A_226 = arith.constant 200 : i32
        %mul3A_227 = arith.muli %add3A_73, %mul3A_226 : i32
        %dma_start3A_228 = tpu.memref_slice %arg5[%mul3A_227] : memref<25600xi32, #tpu.memory_space<vmem>> -> memref<200xi32, #tpu.memory_space<vmem>>
        %dma_start3A_229 = arith.constant 0 : i32
        %dma_start3A_230 = arith.constant 0 : i32
        %dma_start3A_231 = tpu.memref_slice %arg3[%dma_start3A_229, %dma_start3A_230] : memref<1000000x64xf32, #tpu.memory_space<hbm>> -> memref<1000000x64xf32, #tpu.memory_space<hbm>>
        tpu.enqueue_indirect_dma source(%dma_start3A_231 : memref<1000000x64xf32, #tpu.memory_space<hbm>>) target(%arg6 : memref<200x64xf32, #tpu.memory_space<vmem>>) offsets(%dma_start3A_228 : memref<200xi32, #tpu.memory_space<vmem>>) semaphore(%arg11 : memref<!tpu.dma_semaphore, #tpu.memory_space<semaphore_mem>>)
      } else {
      }
      %mul3A_76 = arith.constant 4 : i32
      %mul3A_77 = arith.muli %mul3A_76, %scan3A_31 : i32
      %add3A_78 = arith.constant 1 : i32
      %add3A_79 = arith.addi %mul3A_77, %add3A_78 : i32
      %dma_wait3A_80 = arith.constant 0 : i32
      %dma_wait3A_81 = tpu.memref_slice %arg5[%dma_wait3A_80] : memref<25600xi32, #tpu.memory_space<vmem>> -> memref<200xi32, #tpu.memory_space<vmem>>
      %dma_wait3A_82 = arith.constant 0 : i32
      %dma_wait3A_83 = arith.constant 0 : i32
      %dma_wait3A_84 = tpu.memref_slice %arg3[%dma_wait3A_82, %dma_wait3A_83] : memref<1000000x64xf32, #tpu.memory_space<hbm>> -> memref<1000000x64xf32, #tpu.memory_space<hbm>>
      tpu.wait_indirect_dma semaphore(%arg12 : memref<!tpu.dma_semaphore, #tpu.memory_space<semaphore_mem>>) src(%dma_wait3A_84 : memref<1000000x64xf32, #tpu.memory_space<hbm>>) dst(%arg7 : memref<200x64xf32, #tpu.memory_space<vmem>>)
      %broadcast_in_dim3A_85 = arith.constant 0.000000e+00 : f32
      %broadcast_in_dim3A_86 = vector.broadcast %broadcast_in_dim3A_85 : f32 to vector<16xf32>
      %broadcast_in_dim3A_87 = arith.constant 0.000000e+00 : f32
      %broadcast_in_dim3A_88 = vector.broadcast %broadcast_in_dim3A_87 : f32 to vector<16xf32>
      %broadcast_in_dim3A_89 = arith.constant 0.000000e+00 : f32
      %broadcast_in_dim3A_90 = vector.broadcast %broadcast_in_dim3A_89 : f32 to vector<16xf32>
      %broadcast_in_dim3A_91 = arith.constant 0.000000e+00 : f32
      %broadcast_in_dim3A_92 = vector.broadcast %broadcast_in_dim3A_91 : f32 to vector<16xf32>
      %scan3A_93 = arith.constant 0 : i32
      %scan3A_94 = arith.constant 100 : i32
      %scan3A_95 = arith.addi %scan3A_93, %scan3A_94 : i32
      %scan3A_96 = arith.constant 1 : i32
      %scan3A_97:4 = scf.for %scan3A_226 = %scan3A_93 to %scan3A_95 step %scan3A_96 iter_args(%scan3A_227 = %broadcast_in_dim3A_86, %scan3A_228 = %broadcast_in_dim3A_88, %scan3A_229 = %broadcast_in_dim3A_90, %scan3A_230 = %broadcast_in_dim3A_92) -> (vector<16xf32>, vector<16xf32>, vector<16xf32>, vector<16xf32>)  : i32 {
        %mul3A_231 = arith.constant 2 : i32
        %mul3A_232 = arith.muli %mul3A_231, %scan3A_226 : i32
        %get3A = arith.index_cast %mul3A_232 : i32 to index
        %get3A_233 = arith.constant 0 : index
        %get3A_234 = tpu.vector_load %arg7[%get3A, %get3A_233] {strides = array<i32>} : memref<200x64xf32, #tpu.memory_space<vmem>>, vector<1x16xf32>,
        %get3A_235 = vector.shape_cast %get3A_234 : vector<1x16xf32> to vector<16xf32>
        %add3A_236 = arith.addf %scan3A_227, %get3A_235 : vector<16xf32>
        %mul3A_237 = arith.constant 2 : i32
        %mul3A_238 = arith.muli %mul3A_237, %scan3A_226 : i32
        %get3A_239 = arith.index_cast %mul3A_238 : i32 to index
        %get3A_240 = arith.constant 16 : index
        %get3A_241 = tpu.vector_load %arg7[%get3A_239, %get3A_240] {strides = array<i32>} : memref<200x64xf32, #tpu.memory_space<vmem>>, vector<1x16xf32>,
        %get3A_242 = vector.shape_cast %get3A_241 : vector<1x16xf32> to vector<16xf32>
        %add3A_243 = arith.addf %scan3A_228, %get3A_242 : vector<16xf32>
        %mul3A_244 = arith.constant 2 : i32
        %mul3A_245 = arith.muli %mul3A_244, %scan3A_226 : i32
        %get3A_246 = arith.index_cast %mul3A_245 : i32 to index
        %get3A_247 = arith.constant 32 : index
        %get3A_248 = tpu.vector_load %arg7[%get3A_246, %get3A_247] {strides = array<i32>} : memref<200x64xf32, #tpu.memory_space<vmem>>, vector<1x16xf32>,
        %get3A_249 = vector.shape_cast %get3A_248 : vector<1x16xf32> to vector<16xf32>
        %add3A_250 = arith.addf %scan3A_229, %get3A_249 : vector<16xf32>
        %mul3A_251 = arith.constant 2 : i32
        %mul3A_252 = arith.muli %mul3A_251, %scan3A_226 : i32
        %get3A_253 = arith.index_cast %mul3A_252 : i32 to index
        %get3A_254 = arith.constant 48 : index
        %get3A_255 = tpu.vector_load %arg7[%get3A_253, %get3A_254] {strides = array<i32>} : memref<200x64xf32, #tpu.memory_space<vmem>>, vector<1x16xf32>,
        %get3A_256 = vector.shape_cast %get3A_255 : vector<1x16xf32> to vector<16xf32>
        %add3A_257 = arith.addf %scan3A_230, %get3A_256 : vector<16xf32>
        %mul3A_258 = arith.constant 2 : i32
        %mul3A_259 = arith.muli %mul3A_258, %scan3A_226 : i32
        %add3A_260 = arith.constant 1 : i32
        %add3A_261 = arith.addi %mul3A_259, %add3A_260 : i32
        %get3A_262 = arith.index_cast %add3A_261 : i32 to index
        %get3A_263 = arith.constant 0 : index
        %get3A_264 = tpu.vector_load %arg7[%get3A_262, %get3A_263] {strides = array<i32>} : memref<200x64xf32, #tpu.memory_space<vmem>>, vector<1x16xf32>,
        %get3A_265 = vector.shape_cast %get3A_264 : vector<1x16xf32> to vector<16xf32>
        %add3A_266 = arith.addf %add3A_236, %get3A_265 : vector<16xf32>
        %mul3A_267 = arith.constant 2 : i32
        %mul3A_268 = arith.muli %mul3A_267, %scan3A_226 : i32
        %add3A_269 = arith.constant 1 : i32
        %add3A_270 = arith.addi %mul3A_268, %add3A_269 : i32
        %get3A_271 = arith.index_cast %add3A_270 : i32 to index
        %get3A_272 = arith.constant 16 : index
        %get3A_273 = tpu.vector_load %arg7[%get3A_271, %get3A_272] {strides = array<i32>} : memref<200x64xf32, #tpu.memory_space<vmem>>, vector<1x16xf32>,
        %get3A_274 = vector.shape_cast %get3A_273 : vector<1x16xf32> to vector<16xf32>
        %add3A_275 = arith.addf %add3A_243, %get3A_274 : vector<16xf32>
        %mul3A_276 = arith.constant 2 : i32
        %mul3A_277 = arith.muli %mul3A_276, %scan3A_226 : i32
        %add3A_278 = arith.constant 1 : i32
        %add3A_279 = arith.addi %mul3A_277, %add3A_278 : i32
        %get3A_280 = arith.index_cast %add3A_279 : i32 to index
        %get3A_281 = arith.constant 32 : index
        %get3A_282 = tpu.vector_load %arg7[%get3A_280, %get3A_281] {strides = array<i32>} : memref<200x64xf32, #tpu.memory_space<vmem>>, vector<1x16xf32>,
        %get3A_283 = vector.shape_cast %get3A_282 : vector<1x16xf32> to vector<16xf32>
        %add3A_284 = arith.addf %add3A_250, %get3A_283 : vector<16xf32>
        %mul3A_285 = arith.constant 2 : i32
        %mul3A_286 = arith.muli %mul3A_285, %scan3A_226 : i32
        %add3A_287 = arith.constant 1 : i32
        %add3A_288 = arith.addi %mul3A_286, %add3A_287 : i32
        %get3A_289 = arith.index_cast %add3A_288 : i32 to index
        %get3A_290 = arith.constant 48 : index
        %get3A_291 = tpu.vector_load %arg7[%get3A_289, %get3A_290] {strides = array<i32>} : memref<200x64xf32, #tpu.memory_space<vmem>>, vector<1x16xf32>,
        %get3A_292 = vector.shape_cast %get3A_291 : vector<1x16xf32> to vector<16xf32>
        %add3A_293 = arith.addf %add3A_257, %get3A_292 : vector<16xf32>
        scf.yield %add3A_266, %add3A_275, %add3A_284, %add3A_293 : vector<16xf32>, vector<16xf32>, vector<16xf32>, vector<16xf32>
      }
      %scan3A_98 = arith.constant 100 : i32
      %swap3A_99 = arith.index_cast %add3A_79 : i32 to index
      %swap3A_100 = arith.constant 0 : index
      %swap3A_101 = tpu.vector_load %arg10[%swap3A_99, %swap3A_100] {strides = array<i32>} : memref<128x64xf32, #tpu.memory_space<vmem>>, vector<1x16xf32>,
      %swap3A_102 = vector.shape_cast %swap3A_101 : vector<1x16xf32> to vector<16xf32>
      %swap3A_103 = vector.shape_cast %scan3A_97#0 : vector<16xf32> to vector<1x16xf32>
      tpu.vector_store %arg10[%swap3A_99, %swap3A_100], %swap3A_103 {strides = array<i32>} : memref<128x64xf32, #tpu.memory_space<vmem>>, vector<1x16xf32>,
      %swap3A_104 = arith.index_cast %add3A_79 : i32 to index
      %swap3A_105 = arith.constant 16 : index
      %swap3A_106 = tpu.vector_load %arg10[%swap3A_104, %swap3A_105] {strides = array<i32>} : memref<128x64xf32, #tpu.memory_space<vmem>>, vector<1x16xf32>,
      %swap3A_107 = vector.shape_cast %swap3A_106 : vector<1x16xf32> to vector<16xf32>
      %swap3A_108 = vector.shape_cast %scan3A_97#1 : vector<16xf32> to vector<1x16xf32>
      tpu.vector_store %arg10[%swap3A_104, %swap3A_105], %swap3A_108 {strides = array<i32>} : memref<128x64xf32, #tpu.memory_space<vmem>>, vector<1x16xf32>,
      %swap3A_109 = arith.index_cast %add3A_79 : i32 to index
      %swap3A_110 = arith.constant 32 : index
      %swap3A_111 = tpu.vector_load %arg10[%swap3A_109, %swap3A_110] {strides = array<i32>} : memref<128x64xf32, #tpu.memory_space<vmem>>, vector<1x16xf32>,
      %swap3A_112 = vector.shape_cast %swap3A_111 : vector<1x16xf32> to vector<16xf32>
      %swap3A_113 = vector.shape_cast %scan3A_97#2 : vector<16xf32> to vector<1x16xf32>
      tpu.vector_store %arg10[%swap3A_109, %swap3A_110], %swap3A_113 {strides = array<i32>} : memref<128x64xf32, #tpu.memory_space<vmem>>, vector<1x16xf32>,
      %swap3A_114 = arith.index_cast %add3A_79 : i32 to index
      %swap3A_115 = arith.constant 48 : index
      %swap3A_116 = tpu.vector_load %arg10[%swap3A_114, %swap3A_115] {strides = array<i32>} : memref<128x64xf32, #tpu.memory_space<vmem>>, vector<1x16xf32>,
      %swap3A_117 = vector.shape_cast %swap3A_116 : vector<1x16xf32> to vector<16xf32>
      %swap3A_118 = vector.shape_cast %scan3A_97#3 : vector<16xf32> to vector<1x16xf32>
      tpu.vector_store %arg10[%swap3A_114, %swap3A_115], %swap3A_118 {strides = array<i32>} : memref<128x64xf32, #tpu.memory_space<vmem>>, vector<1x16xf32>,
      %add3A_119 = arith.constant 4 : i32
      %add3A_120 = arith.addi %add3A_79, %add3A_119 : i32
      %lt3A_121 = arith.constant 128 : i32
      %lt3A_122 = arith.cmpi slt, %add3A_120, %lt3A_121 : i32
      %convert_element_type3A_123 = arith.extui %lt3A_122 : i1 to i32
      %cond3A_124 = arith.constant 0 : i32
      %cond3A_125 = arith.cmpi ne, %convert_element_type3A_123, %cond3A_124 : i32
      scf.if %cond3A_125 {
        %mul3A_226 = arith.constant 200 : i32
        %mul3A_227 = arith.muli %add3A_120, %mul3A_226 : i32
        %dma_start3A_228 = tpu.memref_slice %arg5[%mul3A_227] : memref<25600xi32, #tpu.memory_space<vmem>> -> memref<200xi32, #tpu.memory_space<vmem>>
        %dma_start3A_229 = arith.constant 0 : i32
        %dma_start3A_230 = arith.constant 0 : i32
        %dma_start3A_231 = tpu.memref_slice %arg3[%dma_start3A_229, %dma_start3A_230] : memref<1000000x64xf32, #tpu.memory_space<hbm>> -> memref<1000000x64xf32, #tpu.memory_space<hbm>>
        tpu.enqueue_indirect_dma source(%dma_start3A_231 : memref<1000000x64xf32, #tpu.memory_space<hbm>>) target(%arg7 : memref<200x64xf32, #tpu.memory_space<vmem>>) offsets(%dma_start3A_228 : memref<200xi32, #tpu.memory_space<vmem>>) semaphore(%arg12 : memref<!tpu.dma_semaphore, #tpu.memory_space<semaphore_mem>>)
      } else {
      }
      %mul3A_126 = arith.constant 4 : i32
      %mul3A_127 = arith.muli %mul3A_126, %scan3A_31 : i32
      %add3A_128 = arith.constant 2 : i32
      %add3A_129 = arith.addi %mul3A_127, %add3A_128 : i32
      %dma_wait3A_130 = arith.constant 0 : i32
      %dma_wait3A_131 = tpu.memref_slice %arg5[%dma_wait3A_130] : memref<25600xi32, #tpu.memory_space<vmem>> -> memref<200xi32, #tpu.memory_space<vmem>>
      %dma_wait3A_132 = arith.constant 0 : i32
      %dma_wait3A_133 = arith.constant 0 : i32
      %dma_wait3A_134 = tpu.memref_slice %arg3[%dma_wait3A_132, %dma_wait3A_133] : memref<1000000x64xf32, #tpu.memory_space<hbm>> -> memref<1000000x64xf32, #tpu.memory_space<hbm>>
      tpu.wait_indirect_dma semaphore(%arg13 : memref<!tpu.dma_semaphore, #tpu.memory_space<semaphore_mem>>) src(%dma_wait3A_134 : memref<1000000x64xf32, #tpu.memory_space<hbm>>) dst(%arg8 : memref<200x64xf32, #tpu.memory_space<vmem>>)
      %broadcast_in_dim3A_135 = arith.constant 0.000000e+00 : f32
      %broadcast_in_dim3A_136 = vector.broadcast %broadcast_in_dim3A_135 : f32 to vector<16xf32>
      %broadcast_in_dim3A_137 = arith.constant 0.000000e+00 : f32
      %broadcast_in_dim3A_138 = vector.broadcast %broadcast_in_dim3A_137 : f32 to vector<16xf32>
      %broadcast_in_dim3A_139 = arith.constant 0.000000e+00 : f32
      %broadcast_in_dim3A_140 = vector.broadcast %broadcast_in_dim3A_139 : f32 to vector<16xf32>
      %broadcast_in_dim3A_141 = arith.constant 0.000000e+00 : f32
      %broadcast_in_dim3A_142 = vector.broadcast %broadcast_in_dim3A_141 : f32 to vector<16xf32>
      %scan3A_143 = arith.constant 0 : i32
      %scan3A_144 = arith.constant 100 : i32
      %scan3A_145 = arith.addi %scan3A_143, %scan3A_144 : i32
      %scan3A_146 = arith.constant 1 : i32
      %scan3A_147:4 = scf.for %scan3A_226 = %scan3A_143 to %scan3A_145 step %scan3A_146 iter_args(%scan3A_227 = %broadcast_in_dim3A_136, %scan3A_228 = %broadcast_in_dim3A_138, %scan3A_229 = %broadcast_in_dim3A_140, %scan3A_230 = %broadcast_in_dim3A_142) -> (vector<16xf32>, vector<16xf32>, vector<16xf32>, vector<16xf32>)  : i32 {
        %mul3A_231 = arith.constant 2 : i32
        %mul3A_232 = arith.muli %mul3A_231, %scan3A_226 : i32
        %get3A = arith.index_cast %mul3A_232 : i32 to index
        %get3A_233 = arith.constant 0 : index
        %get3A_234 = tpu.vector_load %arg8[%get3A, %get3A_233] {strides = array<i32>} : memref<200x64xf32, #tpu.memory_space<vmem>>, vector<1x16xf32>,
        %get3A_235 = vector.shape_cast %get3A_234 : vector<1x16xf32> to vector<16xf32>
        %add3A_236 = arith.addf %scan3A_227, %get3A_235 : vector<16xf32>
        %mul3A_237 = arith.constant 2 : i32
        %mul3A_238 = arith.muli %mul3A_237, %scan3A_226 : i32
        %get3A_239 = arith.index_cast %mul3A_238 : i32 to index
        %get3A_240 = arith.constant 16 : index
        %get3A_241 = tpu.vector_load %arg8[%get3A_239, %get3A_240] {strides = array<i32>} : memref<200x64xf32, #tpu.memory_space<vmem>>, vector<1x16xf32>,
        %get3A_242 = vector.shape_cast %get3A_241 : vector<1x16xf32> to vector<16xf32>
        %add3A_243 = arith.addf %scan3A_228, %get3A_242 : vector<16xf32>
        %mul3A_244 = arith.constant 2 : i32
        %mul3A_245 = arith.muli %mul3A_244, %scan3A_226 : i32
        %get3A_246 = arith.index_cast %mul3A_245 : i32 to index
        %get3A_247 = arith.constant 32 : index
        %get3A_248 = tpu.vector_load %arg8[%get3A_246, %get3A_247] {strides = array<i32>} : memref<200x64xf32, #tpu.memory_space<vmem>>, vector<1x16xf32>,
        %get3A_249 = vector.shape_cast %get3A_248 : vector<1x16xf32> to vector<16xf32>
        %add3A_250 = arith.addf %scan3A_229, %get3A_249 : vector<16xf32>
        %mul3A_251 = arith.constant 2 : i32
        %mul3A_252 = arith.muli %mul3A_251, %scan3A_226 : i32
        %get3A_253 = arith.index_cast %mul3A_252 : i32 to index
        %get3A_254 = arith.constant 48 : index
        %get3A_255 = tpu.vector_load %arg8[%get3A_253, %get3A_254] {strides = array<i32>} : memref<200x64xf32, #tpu.memory_space<vmem>>, vector<1x16xf32>,
        %get3A_256 = vector.shape_cast %get3A_255 : vector<1x16xf32> to vector<16xf32>
        %add3A_257 = arith.addf %scan3A_230, %get3A_256 : vector<16xf32>
        %mul3A_258 = arith.constant 2 : i32
        %mul3A_259 = arith.muli %mul3A_258, %scan3A_226 : i32
        %add3A_260 = arith.constant 1 : i32
        %add3A_261 = arith.addi %mul3A_259, %add3A_260 : i32
        %get3A_262 = arith.index_cast %add3A_261 : i32 to index
        %get3A_263 = arith.constant 0 : index
        %get3A_264 = tpu.vector_load %arg8[%get3A_262, %get3A_263] {strides = array<i32>} : memref<200x64xf32, #tpu.memory_space<vmem>>, vector<1x16xf32>,
        %get3A_265 = vector.shape_cast %get3A_264 : vector<1x16xf32> to vector<16xf32>
        %add3A_266 = arith.addf %add3A_236, %get3A_265 : vector<16xf32>
        %mul3A_267 = arith.constant 2 : i32
        %mul3A_268 = arith.muli %mul3A_267, %scan3A_226 : i32
        %add3A_269 = arith.constant 1 : i32
        %add3A_270 = arith.addi %mul3A_268, %add3A_269 : i32
        %get3A_271 = arith.index_cast %add3A_270 : i32 to index
        %get3A_272 = arith.constant 16 : index
        %get3A_273 = tpu.vector_load %arg8[%get3A_271, %get3A_272] {strides = array<i32>} : memref<200x64xf32, #tpu.memory_space<vmem>>, vector<1x16xf32>,
        %get3A_274 = vector.shape_cast %get3A_273 : vector<1x16xf32> to vector<16xf32>
        %add3A_275 = arith.addf %add3A_243, %get3A_274 : vector<16xf32>
        %mul3A_276 = arith.constant 2 : i32
        %mul3A_277 = arith.muli %mul3A_276, %scan3A_226 : i32
        %add3A_278 = arith.constant 1 : i32
        %add3A_279 = arith.addi %mul3A_277, %add3A_278 : i32
        %get3A_280 = arith.index_cast %add3A_279 : i32 to index
        %get3A_281 = arith.constant 32 : index
        %get3A_282 = tpu.vector_load %arg8[%get3A_280, %get3A_281] {strides = array<i32>} : memref<200x64xf32, #tpu.memory_space<vmem>>, vector<1x16xf32>,
        %get3A_283 = vector.shape_cast %get3A_282 : vector<1x16xf32> to vector<16xf32>
        %add3A_284 = arith.addf %add3A_250, %get3A_283 : vector<16xf32>
        %mul3A_285 = arith.constant 2 : i32
        %mul3A_286 = arith.muli %mul3A_285, %scan3A_226 : i32
        %add3A_287 = arith.constant 1 : i32
        %add3A_288 = arith.addi %mul3A_286, %add3A_287 : i32
        %get3A_289 = arith.index_cast %add3A_288 : i32 to index
        %get3A_290 = arith.constant 48 : index
        %get3A_291 = tpu.vector_load %arg8[%get3A_289, %get3A_290] {strides = array<i32>} : memref<200x64xf32, #tpu.memory_space<vmem>>, vector<1x16xf32>,
        %get3A_292 = vector.shape_cast %get3A_291 : vector<1x16xf32> to vector<16xf32>
        %add3A_293 = arith.addf %add3A_257, %get3A_292 : vector<16xf32>
        scf.yield %add3A_266, %add3A_275, %add3A_284, %add3A_293 : vector<16xf32>, vector<16xf32>, vector<16xf32>, vector<16xf32>
      }
      %scan3A_148 = arith.constant 100 : i32
      %swap3A_149 = arith.index_cast %add3A_129 : i32 to index
      %swap3A_150 = arith.constant 0 : index
      %swap3A_151 = tpu.vector_load %arg10[%swap3A_149, %swap3A_150] {strides = array<i32>} : memref<128x64xf32, #tpu.memory_space<vmem>>, vector<1x16xf32>,
      %swap3A_152 = vector.shape_cast %swap3A_151 : vector<1x16xf32> to vector<16xf32>
      %swap3A_153 = vector.shape_cast %scan3A_147#0 : vector<16xf32> to vector<1x16xf32>
      tpu.vector_store %arg10[%swap3A_149, %swap3A_150], %swap3A_153 {strides = array<i32>} : memref<128x64xf32, #tpu.memory_space<vmem>>, vector<1x16xf32>,
      %swap3A_154 = arith.index_cast %add3A_129 : i32 to index
      %swap3A_155 = arith.constant 16 : index
      %swap3A_156 = tpu.vector_load %arg10[%swap3A_154, %swap3A_155] {strides = array<i32>} : memref<128x64xf32, #tpu.memory_space<vmem>>, vector<1x16xf32>,
      %swap3A_157 = vector.shape_cast %swap3A_156 : vector<1x16xf32> to vector<16xf32>
      %swap3A_158 = vector.shape_cast %scan3A_147#1 : vector<16xf32> to vector<1x16xf32>
      tpu.vector_store %arg10[%swap3A_154, %swap3A_155], %swap3A_158 {strides = array<i32>} : memref<128x64xf32, #tpu.memory_space<vmem>>, vector<1x16xf32>,
      %swap3A_159 = arith.index_cast %add3A_129 : i32 to index
      %swap3A_160 = arith.constant 32 : index
      %swap3A_161 = tpu.vector_load %arg10[%swap3A_159, %swap3A_160] {strides = array<i32>} : memref<128x64xf32, #tpu.memory_space<vmem>>, vector<1x16xf32>,
      %swap3A_162 = vector.shape_cast %swap3A_161 : vector<1x16xf32> to vector<16xf32>
      %swap3A_163 = vector.shape_cast %scan3A_147#2 : vector<16xf32> to vector<1x16xf32>
      tpu.vector_store %arg10[%swap3A_159, %swap3A_160], %swap3A_163 {strides = array<i32>} : memref<128x64xf32, #tpu.memory_space<vmem>>, vector<1x16xf32>,
      %swap3A_164 = arith.index_cast %add3A_129 : i32 to index
      %swap3A_165 = arith.constant 48 : index
      %swap3A_166 = tpu.vector_load %arg10[%swap3A_164, %swap3A_165] {strides = array<i32>} : memref<128x64xf32, #tpu.memory_space<vmem>>, vector<1x16xf32>,
      %swap3A_167 = vector.shape_cast %swap3A_166 : vector<1x16xf32> to vector<16xf32>
      %swap3A_168 = vector.shape_cast %scan3A_147#3 : vector<16xf32> to vector<1x16xf32>
      tpu.vector_store %arg10[%swap3A_164, %swap3A_165], %swap3A_168 {strides = array<i32>} : memref<128x64xf32, #tpu.memory_space<vmem>>, vector<1x16xf32>,
      %add3A_169 = arith.constant 4 : i32
      %add3A_170 = arith.addi %add3A_129, %add3A_169 : i32
      %lt3A_171 = arith.constant 128 : i32
      %lt3A_172 = arith.cmpi slt, %add3A_170, %lt3A_171 : i32
      %convert_element_type3A_173 = arith.extui %lt3A_172 : i1 to i32
      %cond3A_174 = arith.constant 0 : i32
      %cond3A_175 = arith.cmpi ne, %convert_element_type3A_173, %cond3A_174 : i32
      scf.if %cond3A_175 {
        %mul3A_226 = arith.constant 200 : i32
        %mul3A_227 = arith.muli %add3A_170, %mul3A_226 : i32
        %dma_start3A_228 = tpu.memref_slice %arg5[%mul3A_227] : memref<25600xi32, #tpu.memory_space<vmem>> -> memref<200xi32, #tpu.memory_space<vmem>>
        %dma_start3A_229 = arith.constant 0 : i32
        %dma_start3A_230 = arith.constant 0 : i32
        %dma_start3A_231 = tpu.memref_slice %arg3[%dma_start3A_229, %dma_start3A_230] : memref<1000000x64xf32, #tpu.memory_space<hbm>> -> memref<1000000x64xf32, #tpu.memory_space<hbm>>
        tpu.enqueue_indirect_dma source(%dma_start3A_231 : memref<1000000x64xf32, #tpu.memory_space<hbm>>) target(%arg8 : memref<200x64xf32, #tpu.memory_space<vmem>>) offsets(%dma_start3A_228 : memref<200xi32, #tpu.memory_space<vmem>>) semaphore(%arg13 : memref<!tpu.dma_semaphore, #tpu.memory_space<semaphore_mem>>)
      } else {
      }
      %mul3A_176 = arith.constant 4 : i32
      %mul3A_177 = arith.muli %mul3A_176, %scan3A_31 : i32
      %add3A_178 = arith.constant 3 : i32
      %add3A_179 = arith.addi %mul3A_177, %add3A_178 : i32
      %dma_wait3A_180 = arith.constant 0 : i32
      %dma_wait3A_181 = tpu.memref_slice %arg5[%dma_wait3A_180] : memref<25600xi32, #tpu.memory_space<vmem>> -> memref<200xi32, #tpu.memory_space<vmem>>
      %dma_wait3A_182 = arith.constant 0 : i32
      %dma_wait3A_183 = arith.constant 0 : i32
      %dma_wait3A_184 = tpu.memref_slice %arg3[%dma_wait3A_182, %dma_wait3A_183] : memref<1000000x64xf32, #tpu.memory_space<hbm>> -> memref<1000000x64xf32, #tpu.memory_space<hbm>>
      tpu.wait_indirect_dma semaphore(%arg14 : memref<!tpu.dma_semaphore, #tpu.memory_space<semaphore_mem>>) src(%dma_wait3A_184 : memref<1000000x64xf32, #tpu.memory_space<hbm>>) dst(%arg9 : memref<200x64xf32, #tpu.memory_space<vmem>>)
      %broadcast_in_dim3A_185 = arith.constant 0.000000e+00 : f32
      %broadcast_in_dim3A_186 = vector.broadcast %broadcast_in_dim3A_185 : f32 to vector<16xf32>
      %broadcast_in_dim3A_187 = arith.constant 0.000000e+00 : f32
      %broadcast_in_dim3A_188 = vector.broadcast %broadcast_in_dim3A_187 : f32 to vector<16xf32>
      %broadcast_in_dim3A_189 = arith.constant 0.000000e+00 : f32
      %broadcast_in_dim3A_190 = vector.broadcast %broadcast_in_dim3A_189 : f32 to vector<16xf32>
      %broadcast_in_dim3A_191 = arith.constant 0.000000e+00 : f32
      %broadcast_in_dim3A_192 = vector.broadcast %broadcast_in_dim3A_191 : f32 to vector<16xf32>
      %scan3A_193 = arith.constant 0 : i32
      %scan3A_194 = arith.constant 100 : i32
      %scan3A_195 = arith.addi %scan3A_193, %scan3A_194 : i32
      %scan3A_196 = arith.constant 1 : i32
      %scan3A_197:4 = scf.for %scan3A_226 = %scan3A_193 to %scan3A_195 step %scan3A_196 iter_args(%scan3A_227 = %broadcast_in_dim3A_186, %scan3A_228 = %broadcast_in_dim3A_188, %scan3A_229 = %broadcast_in_dim3A_190, %scan3A_230 = %broadcast_in_dim3A_192) -> (vector<16xf32>, vector<16xf32>, vector<16xf32>, vector<16xf32>)  : i32 {
        %mul3A_231 = arith.constant 2 : i32
        %mul3A_232 = arith.muli %mul3A_231, %scan3A_226 : i32
        %get3A = arith.index_cast %mul3A_232 : i32 to index
        %get3A_233 = arith.constant 0 : index
        %get3A_234 = tpu.vector_load %arg9[%get3A, %get3A_233] {strides = array<i32>} : memref<200x64xf32, #tpu.memory_space<vmem>>, vector<1x16xf32>,
        %get3A_235 = vector.shape_cast %get3A_234 : vector<1x16xf32> to vector<16xf32>
        %add3A_236 = arith.addf %scan3A_227, %get3A_235 : vector<16xf32>
        %mul3A_237 = arith.constant 2 : i32
        %mul3A_238 = arith.muli %mul3A_237, %scan3A_226 : i32
        %get3A_239 = arith.index_cast %mul3A_238 : i32 to index
        %get3A_240 = arith.constant 16 : index
        %get3A_241 = tpu.vector_load %arg9[%get3A_239, %get3A_240] {strides = array<i32>} : memref<200x64xf32, #tpu.memory_space<vmem>>, vector<1x16xf32>,
        %get3A_242 = vector.shape_cast %get3A_241 : vector<1x16xf32> to vector<16xf32>
        %add3A_243 = arith.addf %scan3A_228, %get3A_242 : vector<16xf32>
        %mul3A_244 = arith.constant 2 : i32
        %mul3A_245 = arith.muli %mul3A_244, %scan3A_226 : i32
        %get3A_246 = arith.index_cast %mul3A_245 : i32 to index
        %get3A_247 = arith.constant 32 : index
        %get3A_248 = tpu.vector_load %arg9[%get3A_246, %get3A_247] {strides = array<i32>} : memref<200x64xf32, #tpu.memory_space<vmem>>, vector<1x16xf32>,
        %get3A_249 = vector.shape_cast %get3A_248 : vector<1x16xf32> to vector<16xf32>
        %add3A_250 = arith.addf %scan3A_229, %get3A_249 : vector<16xf32>
        %mul3A_251 = arith.constant 2 : i32
        %mul3A_252 = arith.muli %mul3A_251, %scan3A_226 : i32
        %get3A_253 = arith.index_cast %mul3A_252 : i32 to index
        %get3A_254 = arith.constant 48 : index
        %get3A_255 = tpu.vector_load %arg9[%get3A_253, %get3A_254] {strides = array<i32>} : memref<200x64xf32, #tpu.memory_space<vmem>>, vector<1x16xf32>,
        %get3A_256 = vector.shape_cast %get3A_255 : vector<1x16xf32> to vector<16xf32>
        %add3A_257 = arith.addf %scan3A_230, %get3A_256 : vector<16xf32>
        %mul3A_258 = arith.constant 2 : i32
        %mul3A_259 = arith.muli %mul3A_258, %scan3A_226 : i32
        %add3A_260 = arith.constant 1 : i32
        %add3A_261 = arith.addi %mul3A_259, %add3A_260 : i32
        %get3A_262 = arith.index_cast %add3A_261 : i32 to index
        %get3A_263 = arith.constant 0 : index
        %get3A_264 = tpu.vector_load %arg9[%get3A_262, %get3A_263] {strides = array<i32>} : memref<200x64xf32, #tpu.memory_space<vmem>>, vector<1x16xf32>,
        %get3A_265 = vector.shape_cast %get3A_264 : vector<1x16xf32> to vector<16xf32>
        %add3A_266 = arith.addf %add3A_236, %get3A_265 : vector<16xf32>
        %mul3A_267 = arith.constant 2 : i32
        %mul3A_268 = arith.muli %mul3A_267, %scan3A_226 : i32
        %add3A_269 = arith.constant 1 : i32
        %add3A_270 = arith.addi %mul3A_268, %add3A_269 : i32
        %get3A_271 = arith.index_cast %add3A_270 : i32 to index
        %get3A_272 = arith.constant 16 : index
        %get3A_273 = tpu.vector_load %arg9[%get3A_271, %get3A_272] {strides = array<i32>} : memref<200x64xf32, #tpu.memory_space<vmem>>, vector<1x16xf32>,
        %get3A_274 = vector.shape_cast %get3A_273 : vector<1x16xf32> to vector<16xf32>
        %add3A_275 = arith.addf %add3A_243, %get3A_274 : vector<16xf32>
        %mul3A_276 = arith.constant 2 : i32
        %mul3A_277 = arith.muli %mul3A_276, %scan3A_226 : i32
        %add3A_278 = arith.constant 1 : i32
        %add3A_279 = arith.addi %mul3A_277, %add3A_278 : i32
        %get3A_280 = arith.index_cast %add3A_279 : i32 to index
        %get3A_281 = arith.constant 32 : index
        %get3A_282 = tpu.vector_load %arg9[%get3A_280, %get3A_281] {strides = array<i32>} : memref<200x64xf32, #tpu.memory_space<vmem>>, vector<1x16xf32>,
        %get3A_283 = vector.shape_cast %get3A_282 : vector<1x16xf32> to vector<16xf32>
        %add3A_284 = arith.addf %add3A_250, %get3A_283 : vector<16xf32>
        %mul3A_285 = arith.constant 2 : i32
        %mul3A_286 = arith.muli %mul3A_285, %scan3A_226 : i32
        %add3A_287 = arith.constant 1 : i32
        %add3A_288 = arith.addi %mul3A_286, %add3A_287 : i32
        %get3A_289 = arith.index_cast %add3A_288 : i32 to index
        %get3A_290 = arith.constant 48 : index
        %get3A_291 = tpu.vector_load %arg9[%get3A_289, %get3A_290] {strides = array<i32>} : memref<200x64xf32, #tpu.memory_space<vmem>>, vector<1x16xf32>,
        %get3A_292 = vector.shape_cast %get3A_291 : vector<1x16xf32> to vector<16xf32>
        %add3A_293 = arith.addf %add3A_257, %get3A_292 : vector<16xf32>
        scf.yield %add3A_266, %add3A_275, %add3A_284, %add3A_293 : vector<16xf32>, vector<16xf32>, vector<16xf32>, vector<16xf32>
      }
      %scan3A_198 = arith.constant 100 : i32
      %swap3A_199 = arith.index_cast %add3A_179 : i32 to index
      %swap3A_200 = arith.constant 0 : index
      %swap3A_201 = tpu.vector_load %arg10[%swap3A_199, %swap3A_200] {strides = array<i32>} : memref<128x64xf32, #tpu.memory_space<vmem>>, vector<1x16xf32>,
      %swap3A_202 = vector.shape_cast %swap3A_201 : vector<1x16xf32> to vector<16xf32>
      %swap3A_203 = vector.shape_cast %scan3A_197#0 : vector<16xf32> to vector<1x16xf32>
      tpu.vector_store %arg10[%swap3A_199, %swap3A_200], %swap3A_203 {strides = array<i32>} : memref<128x64xf32, #tpu.memory_space<vmem>>, vector<1x16xf32>,
      %swap3A_204 = arith.index_cast %add3A_179 : i32 to index
      %swap3A_205 = arith.constant 16 : index
      %swap3A_206 = tpu.vector_load %arg10[%swap3A_204, %swap3A_205] {strides = array<i32>} : memref<128x64xf32, #tpu.memory_space<vmem>>, vector<1x16xf32>,
      %swap3A_207 = vector.shape_cast %swap3A_206 : vector<1x16xf32> to vector<16xf32>
      %swap3A_208 = vector.shape_cast %scan3A_197#1 : vector<16xf32> to vector<1x16xf32>
      tpu.vector_store %arg10[%swap3A_204, %swap3A_205], %swap3A_208 {strides = array<i32>} : memref<128x64xf32, #tpu.memory_space<vmem>>, vector<1x16xf32>,
      %swap3A_209 = arith.index_cast %add3A_179 : i32 to index
      %swap3A_210 = arith.constant 32 : index
      %swap3A_211 = tpu.vector_load %arg10[%swap3A_209, %swap3A_210] {strides = array<i32>} : memref<128x64xf32, #tpu.memory_space<vmem>>, vector<1x16xf32>,
      %swap3A_212 = vector.shape_cast %swap3A_211 : vector<1x16xf32> to vector<16xf32>
      %swap3A_213 = vector.shape_cast %scan3A_197#2 : vector<16xf32> to vector<1x16xf32>
      tpu.vector_store %arg10[%swap3A_209, %swap3A_210], %swap3A_213 {strides = array<i32>} : memref<128x64xf32, #tpu.memory_space<vmem>>, vector<1x16xf32>,
      %swap3A_214 = arith.index_cast %add3A_179 : i32 to index
      %swap3A_215 = arith.constant 48 : index
      %swap3A_216 = tpu.vector_load %arg10[%swap3A_214, %swap3A_215] {strides = array<i32>} : memref<128x64xf32, #tpu.memory_space<vmem>>, vector<1x16xf32>,
      %swap3A_217 = vector.shape_cast %swap3A_216 : vector<1x16xf32> to vector<16xf32>
      %swap3A_218 = vector.shape_cast %scan3A_197#3 : vector<16xf32> to vector<1x16xf32>
      tpu.vector_store %arg10[%swap3A_214, %swap3A_215], %swap3A_218 {strides = array<i32>} : memref<128x64xf32, #tpu.memory_space<vmem>>, vector<1x16xf32>,
      %add3A_219 = arith.constant 4 : i32
      %add3A_220 = arith.addi %add3A_179, %add3A_219 : i32
      %lt3A_221 = arith.constant 128 : i32
      %lt3A_222 = arith.cmpi slt, %add3A_220, %lt3A_221 : i32
      %convert_element_type3A_223 = arith.extui %lt3A_222 : i1 to i32
      %cond3A_224 = arith.constant 0 : i32
      %cond3A_225 = arith.cmpi ne, %convert_element_type3A_223, %cond3A_224 : i32
      scf.if %cond3A_225 {
        %mul3A_226 = arith.constant 200 : i32
        %mul3A_227 = arith.muli %add3A_220, %mul3A_226 : i32
        %dma_start3A_228 = tpu.memref_slice %arg5[%mul3A_227] : memref<25600xi32, #tpu.memory_space<vmem>> -> memref<200xi32, #tpu.memory_space<vmem>>
        %dma_start3A_229 = arith.constant 0 : i32
        %dma_start3A_230 = arith.constant 0 : i32
        %dma_start3A_231 = tpu.memref_slice %arg3[%dma_start3A_229, %dma_start3A_230] : memref<1000000x64xf32, #tpu.memory_space<hbm>> -> memref<1000000x64xf32, #tpu.memory_space<hbm>>
        tpu.enqueue_indirect_dma source(%dma_start3A_231 : memref<1000000x64xf32, #tpu.memory_space<hbm>>) target(%arg9 : memref<200x64xf32, #tpu.memory_space<vmem>>) offsets(%dma_start3A_228 : memref<200xi32, #tpu.memory_space<vmem>>) semaphore(%arg14 : memref<!tpu.dma_semaphore, #tpu.memory_space<semaphore_mem>>)
      } else {
      }
    }
    %scan3A_28 = arith.constant 32 : i32
    %mul3A_29 = arith.constant 128 : i32
    %mul3A_30 = arith.muli %add3A, %mul3A_29 : i32
    "tpu.region"() ({
      %run_scoped3A = tpu.sem_alloc : memref<!tpu.dma_semaphore, #tpu.memory_space<semaphore_mem>>
      %dma_start3A_31 = arith.constant 0 : i32
      %dma_start3A_32 = tpu.memref_slice %arg4[%mul3A_30, %dma_start3A_31] : memref<4096x64xf32, #tpu.memory_space<hbm>> -> memref<128x64xf32, #tpu.memory_space<hbm>>
      %dma_start3A_33 = arith.constant 0 : i32
      %dma_start3A_34 = tpu.memref_slice %arg4[%mul3A_30, %dma_start3A_33] : memref<4096x64xf32, #tpu.memory_space<hbm>> -> memref<128x64xf32, #tpu.memory_space<hbm>>
      tpu.enqueue_dma source(%arg10 : memref<128x64xf32, #tpu.memory_space<vmem>>) target(%dma_start3A_34 : memref<128x64xf32, #tpu.memory_space<hbm>>) target_semaphore(%run_scoped3A : memref<!tpu.dma_semaphore, #tpu.memory_space<semaphore_mem>>)
      %dma_wait3A = arith.constant 0 : i32
      %dma_wait3A_35 = tpu.memref_slice %arg4[%mul3A_30, %dma_wait3A] : memref<4096x64xf32, #tpu.memory_space<hbm>> -> memref<128x64xf32, #tpu.memory_space<hbm>>
      %dma_wait3A_36 = arith.constant 0 : i32
      %dma_wait3A_37 = tpu.memref_slice %arg4[%mul3A_30, %dma_wait3A_36] : memref<4096x64xf32, #tpu.memory_space<hbm>> -> memref<128x64xf32, #tpu.memory_space<hbm>>
      tpu.wait_dma2 semaphore(%run_scoped3A : memref<!tpu.dma_semaphore, #tpu.memory_space<semaphore_mem>>) src(%arg10 : memref<128x64xf32, #tpu.memory_space<vmem>>) dst(%dma_wait3A_37 : memref<128x64xf32, #tpu.memory_space<hbm>>)
      tpu.yield
    }) : () -> ()
    return
  }
}

</mosaic_0001>

<sc_bundles>
// kernel: kernel.3.cloned.1.call-start
scs
__scs_entry_jumppad:
0x0: {  	(pc) =	sbr.rel $0x88, $3  }
0x1: {  	(tag) =	ssettag $0x0;
	lr =	simm.s32 $0x1  }
0x2: {  	[smem:$0x3F9F] =	sst lr;
	_ =	strace $0xD0000000  }
0x3: {  	_ = 	snop  }
0x4: {  	_ = 	snop  }
0x5: {  	_ = 	snop  }
0x6: {  	_ = 	snop  }
0x7: {  	_ = 	snop  }
__scs_overlays_trampoline_lowered:
0x8: {  	[smem:$0x3FAE] =	sst s0  }
0x9: {  	[smem:$0x3FAF] =	sst s1  }
0xa: {  	[smem:$0x3FB0] =	sst s2  }
0xb: {  	[smem:$0x3FB1] =	sst s3  }
0xc: {  	[smem:$0x3FB2] =	sst s4  }
0xd: {  	[smem:$0x3FB3] =	sst s5  }
0xe: {  	[smem:$0x3FB4] =	sst s6  }
0xf: {  	[smem:$0x3FB5] =	sst s7  }
0x10: {  	[smem:$0x3FB6] =	sst s8  }
0x11: {  	[smem:$0x3FB7] =	sst s9;
	s0 =	simm.s32 @!p0 $0x0  }
0x12: {  	s1 =	sld [smem:$0x3F9D];
	s0 =	simm.s32 @p0 $0x1  }
0x13: {  	[smem:$0x3FB8] =	sst s0;
	s0 =	simm.s32 @!p1 $0x0  }
0x14: {  	s2 =	sld [smem:$0x3F9C];
	s0 =	simm.s32 @p1 $0x1  }
0x15: {  	[smem:$0x3FB9] =	sst s0;
	s0 =	simm.s32 @!p2 $0x0  }
0x16: {  	s3 =	sld [smem:$0x3FDB];
	s0 =	simm.s32 @p2 $0x1  }
0x17: {  	s4 =	simm.s32 $0x1BF5;
	[smem:$0x3FBB] =	sst s0  }
0x18: {  	s0 =	sld [smem:$0x3F9E];
	_ =	swait.ge [sflag:s4], $0x0  }
0x19: {  	s7 =	sld [smem:$0x3F9F]  }
0x1a: {  	s8 =	sadd.s32 $0xFFFFE003, lr  }
0x1b: {  	s9 =	sadd.s32 $0xFFFFFEF7, lr;
	s5 =	simm.s32 $0xFFFFFFFF;
	p2 =	slt.u32 s8, $0xFFFFF086  }
0x1c: {  	p1 =	slt.u32 s9, $0xF7A;
	s5 =	simm.s32 @!p2 $0x0  }
0x1d: {  	s5 =	simm.s32 @p1 $0x1;
	p0 =	seq.s32 s7, s2  }
0x1e: {  	s7 =	smul.u32 @!p0 $0xF7A, s2;
	p2 =	seq.s32 @!p0 s5, $0x0  }
0x1f: {  	s9 =	smul.u32 $0xF7A, s1;
	s8 =	simm.s32 @!p0 $0x1BF5;
	p2 =	por !p2, p0  }
0x20: {  	[sflag:s8] =	ssyncset.s32 @!p0 $0xFFFFF086;
	s6 =	sadd.s32 @!p0 s3, s7;
	s7 =	simm.s32 @!p0 $0x108  }
0x21: {  	s3 =	sadd.s32 s3, s9;
	s6 =	sadd.s32 @!p0 $0x88, s6;
	s7 =	simm.s32 @p2 $0x1082  }
0x22: {  	[simem:s7], [sflag:s8] =	dma.local @!p0 [hbm:s6], $0xF7A  }
0x23: {  	s9 =	sor.u32 $0xD0000000, s2;
	s6 =	simm.s32 $0x108;
	_ =	swait.ge @!p0 [sflag:s8], $0x0  }
0x24: {  	s3 =	sadd.s32 $0x88, s3;
	s6 =	simm.s32 @!p1 $0x1082;
	[sflag:s4] =	ssyncset.s32 $0xFFFFF086  }
0x25: {  	[simem:s6], [sflag:s4] =	dma.local [hbm:s3], $0xF7A  }
0x26: {  	[smem:$0x3F9F] =	sst s1;
	(tag) =	ssettag s2;
	_ =	strace s9  }
0x27: {  	s1 =	sld [smem:$0x3FAF]  }
0x28: {  	s2 =	sld [smem:$0x3FB0]  }
0x29: {  	s4 =	sld [smem:$0x3FB2]  }
0x2a: {  	p0 =	seq.s32 s5, $0x0;
	s5 =	sld [smem:$0x3FB3]  }
0x2b: {  	s6 =	sld [smem:$0x3FB4]  }
0x2c: {  	s7 =	sld [smem:$0x3FB5]  }
0x2d: {  	s3 =	simm.s32 $0x108;
	s8 =	sld [smem:$0x3FB6]  }
0x2e: {  	s3 =	simm.s32 @!p0 $0x1082;
	s9 =	sld [smem:$0x3FB7]  }
0x2f: {  	lr =	sadd.s32 s0, s3;
	s0 =	sld [smem:$0x3FAE]  }
0x30: {  	s3 =	sld [smem:$0x3FB1]  }
0x31: {  	[smem:$0x3FBA] =	sst s10  }
0x32: {  	s10 =	sld [smem:$0x3FB8];
	_ =	sdelay $0x3  }
0x33: {  	p0 =	seq.s32 s10, $0x1;
	s10 =	sld [smem:$0x3FBA];
	_ =	sdelay $0x3  }
0x34: {  	[smem:$0x3FBA] =	sst s10  }
0x35: {  	s10 =	sld [smem:$0x3FB9];
	_ =	sdelay $0x3  }
0x36: {  	p1 =	seq.s32 s10, $0x1;
	s10 =	sld [smem:$0x3FBA];
	_ =	sdelay $0x3  }
0x37: {  	[smem:$0x3FBA] =	sst s10  }
0x38: {  	s10 =	sld [smem:$0x3FBB]  }
0x39: {  	_ = 	snop;
	(pc) =	sbr.ind lr, $3  }
0x3a: {  	_ = 	snop  }
0x3b: {  	_ = 	snop  }
0x3c: {  	p2 =	seq.s32 s10, $0x1;
	s10 =	sld [smem:$0x3FBA]  }
0x3d: {  	_ =	shalt  }
0x3e: {  	_ =	shalt  }
0x3f: {  	_ =	shalt  }
0x40: {  	_ =	shalt  }
0x41: {  	_ =	shalt  }
0x42: {  	_ =	shalt  }
0x43: {  	_ =	shalt  }
0x44: {  	_ =	shalt  }
0x45: {  	_ =	shalt  }
0x46: {  	_ =	shalt  }
0x47: {  	_ =	shalt  }
0x48: {  	_ =	shalt  }
0x49: {  	_ =	shalt  }
0x4a: {  	_ =	shalt  }
0x4b: {  	_ =	shalt  }
0x4c: {  	_ =	shalt  }
0x4d: {  	_ =	shalt  }
0x4e: {  	_ =	shalt  }
0x4f: {  	_ =	shalt  }
0x50: {  	_ =	shalt  }
0x51: {  	_ =	shalt  }
0x52: {  	_ =	shalt  }
0x53: {  	_ =	shalt  }
0x54: {  	_ =	shalt  }
0x55: {  	_ =	shalt  }
0x56: {  	_ =	shalt  }
0x57: {  	_ =	shalt  }
0x58: {  	_ =	shalt  }
0x59: {  	_ =	shalt  }
0x5a: {  	_ =	shalt  }
0x5b: {  	_ =	shalt  }
0x5c: {  	_ =	shalt  }
0x5d: {  	_ =	shalt  }
0x5e: {  	_ =	shalt  }
0x5f: {  	_ =	shalt  }
0x60: {  	_ =	shalt  }
0x61: {  	_ =	shalt  }
0x62: {  	_ =	shalt  }
0x63: {  	_ =	shalt  }
0x64: {  	_ =	shalt  }
0x65: {  	_ =	shalt  }
0x66: {  	_ =	shalt  }
0x67: {  	_ =	shalt  }
0x68: {  	_ =	shalt  }
0x69: {  	_ =	shalt  }
0x6a: {  	_ =	shalt  }
0x6b: {  	_ =	shalt  }
0x6c: {  	_ =	shalt  }
0x6d: {  	_ =	shalt  }
0x6e: {  	_ =	shalt  }
0x6f: {  	_ =	shalt  }
0x70: {  	_ =	shalt  }
0x71: {  	_ =	shalt  }
0x72: {  	_ =	shalt  }
0x73: {  	_ =	shalt  }
0x74: {  	_ =	shalt  }
0x75: {  	_ =	shalt  }
0x76: {  	_ =	shalt  }
0x77: {  	_ =	shalt  }
0x78: {  	_ =	shalt  }
0x79: {  	_ =	shalt  }
0x7a: {  	_ =	shalt  }
0x7b: {  	_ =	shalt  }
0x7c: {  	_ =	shalt  }
0x7d: {  	_ =	shalt  }
0x7e: {  	_ =	shalt  }
0x7f: {  	_ =	shalt  }
0x80: {  	_ =	shalt  }
0x81: {  	_ =	shalt  }
0x82: {  	_ =	shalt  }
0x83: {  	_ =	shalt  }
0x84: {  	_ =	shalt  }
0x85: {  	_ =	shalt  }
0x86: {  	_ =	shalt  }
0x87: {  	_ =	shalt  }
.Lfunc_end0:
.L_simem_size_0:
called_computation_lowered:
.L_overlay_start_0:
0x88: {  	s2 =	sld [smem:$0x3FD9]  }
0x89: {  	s3 =	sld [smem:$0x3FFE];
	_ =	sdelay $0x1  }
0x8a: {  	s1 =	srdreg.scid  }
0x8b: {  	s0 =	sand.u32 $0x1, s1  }
0x8c: {  	s17 =	sshll.u32 s0, $0xA;
	s2 =	sadd.s32 s3, s2  }
0x8d: {  	s2 =	sadd.s32 s2, s17  }
0x8e: {  	[smem:$0x3FC6] =	sst s2  }
0x8f: {  	_ = 	snop  }
0x90: {  	s2 =	sld [smem:$0x3FD0];
	(tm) =	ssettm $0x1  }
0x91: {  	s18 =	sld [smem:$0x3FFB];
	_ =	sdelay $0x3  }
0x92: {  	_ =	strace s18  }
0x93: {  	s3 =	sld [smem:$0x3FFC];
	_ =	sdelay $0x3  }
0x94: {  	_ =	strace s3  }
0x95: {  	s3 =	sld [smem:$0x3FFD];
	_ =	sdelay $0x3  }
0x96: {  	_ =	strace s3  }
0x97: {  	_ =	strace $0x8FFFFFFF  }
0x98: {  	s19 =	sld [smem:$0x3FDB];
	_ =	sdelay $0x1  }
0x99: {  	s4 =	simm.s32 $_scs_section_size  }
0x9a: {  	s5 =	simm.s32 $_size__tile_overlayer_lowered;
	s6 =	simm.s32 $_tile_overlayer_lowered  }
0x9b: {  	s22 =	simm.s32 $0x1BFF;
	s21 =	sshll.u32 s6, $0x1;
	s3 =	sadd.s32 s4, s19  }
0x9c: {  	s7 =	simm.s32 $0x0;
	s20 =	sshll.u32 s5, $0x1;
	s5 =	sadd.s32 s21, s3  }
0x9d: {  	[timem:s7], [sflag:s22] =	dma.local [hbm:s5], s20  }
0x9e: {  	_ =	swait.ge [sflag:s22], s20  }
0x9f: {  	s4 =	ssub.s32 $0x0, s20;
	[sflag:s22] =	ssyncset.done $0x0  }
0xa0: {  	[sflag:s22] =	ssyncadd.s32 s4;
	_ =	sdelay $0x1  }
0xa1: {  	s23 =	simm.s32 $0x1B8B  }
0xa2: {  	_ =	swait.ge [sflag:s23], $0x1  }
0xa3: {  	[sflag:s23] =	ssyncset.done $0x0  }
0xa4: {  	s25 =	simm.s32 $0x1B8E;
	s24 =	sld [smem:$0x3FFE];
	[sflag:s23] =	ssyncadd.s32 $0xFFFFFFFF  }
0xa5: {  	s26 =	simm.s32 $execute0_lowered;
	[smem:$0x3FD2] =	sst s25  }
0xa6: {  	s5 =	sshll.u32 s26, $0x1;
	_ =	strace $0x80000046;
	[dreg:$0x1] =	wrdreg $0xFFFFFFFF  }
0xa7: {  	s28 =	simm.s32 $_size_execute0_lowered;
	s3 =	sadd.s32 s3, s5;
	[dreg:$0x0] =	wrdreg $0x0  }
0xa8: {  	s5 =	sshll.u32 s28, $0x1;
	[dreg:$0x2] =	wrdreg s3  }
0xa9: {  	[dreg:$0x3] =	wrdreg s5  }
0xaa: {  	[dreg:$0x4] =	wrdreg $0xC0  }
0xab: {  	_ =	task [dreg:s7], $0x5FFFF  }
0xac: {  	[dreg:$0x1] =	wrdreg $0xFFFFFFFF  }
0xad: {  	[dreg:$0x0] =	wrdreg $0x60  }
0xae: {  	[dreg:$0x2] =	wrdreg s24  }
0xaf: {  	[dreg:$0x3] =	wrdreg s2  }
0xb0: {  	[dreg:$0x4] =	wrdreg $0x9  }
0xb1: {  	_ =	task.clear_ibuf [dreg:s7], $0x5FFFF;
	_ =	strace $0x90000046  }
0xb2: {  	s29 =	simm.s32 $0x9;
	_ =	strace $0x80000048  }
0xb3: {  	_ =	swait.ge [sflag:s29], $0x1  }
0xb4: {  	[sflag:s29] =	ssyncadd.s32 $0xFFFFFFFF  }
0xb5: {  	_ =	strace $0x90000048  }
0xb6: {  	_ =	sfence  }
0xb7: {  	s30 =	sld [smem:$0x0];
	_ =	sdelay $0x2  }
0xb8: {  	s31 =	sshll.u32 s1, $0xD;
	s1 =	sshrl.u32 s1, $0x2  }
0xb9: {  	s3 =	sand.u32 $0x4000, s31;
	s1 =	sadd.s32 s1, s30  }
0xba: {  	s0 =	sor.u32 s3, s0;
	s1 =	sshll.u32 s1, $0x11  }
0xbb: {  	s0 =	sor.u32 s1, s0  }
0xbc: {  	s0 =	sadd.s32 $0x8F2B, s0  }
0xbd: {  	[sflag:s0] =	ssyncadd.remote.s32 $0x1  }
0xbe: {  	_ =	sfence.sel $0xFFFF  }
0xbf: {  	[dreg:$0x0] =	wrdreg $0xFFFFFFFF;
	(pc) =	sbr.abs _section_cstart, $3  }
0xc0: {  	[dreg:$0x1] =	wrdreg $0xFFFFFFFF  }
0xc1: {  	_ =	task.clear_ibuf [dreg:s7], $0x2FFFF;
	_ =	strace $0x9FFFFFFF  }
0xc2: {  	(tm) =	ssettm $0x7FFFFFFF  }
0xc3: {  	_ =	shalt  }
tec
execute0_lowered:
.L_overlay_start_1:
0x0: {  	(tag) =	ssettag $0x1  }
0x1: {  	s1 =	srdreg.scid  }
0x2: {  	s0 =	stileid.u32;
	s3 =	rddreg [dreg:$0x0]  }
0x3: {  	s5 =	rddreg [dreg:$0x1];
	s2 =	simm.s32 $0x0;
	s9 =	simm.s32 $0x6400  }
0x4: {  	s10 =	simm.s32 $0x9600;
	s11 =	simm.s32 $0x190;
	s12 =	simm.s32 $0xC800  }
0x5: {  	s13 =	simm.s32 $0x258;
	s14 =	simm.s32 $0xFA00;
	s15 =	simm.s32 $0x1  }
0x6: {  	s16 =	simm.s32 $0x2;
	s17 =	simm.s32 $0x3;
	s18 =	simm.s32 $0x4  }
0x7: {  	s19 =	simm.s32 $0x12C00;
	s4 =	sand.u32 $0x1, s1;
	s1 =	rddreg [dreg:$0x2]  }
0x8: {  	s20 =	simm.s32 $0x0;
	s31 =	sshll.u32 s0, $0x1;
	[smem:$0x7FF] =	sst s2  }
.Ltmp0:
0x9: {  	s6 =	sor.u32 s4, s31;
	s4 =	ssub.s32 $0x2, s4;
	(pc) =	sbr.rel .LBB2_1-.Ltmp0, $4  }
0xa: {  	s7 =	smul.u32 $0xC80, s6;
	s8 =	sshrl.u32 s4, $0x1;
	s6 =	sshll.u32 s6, $0xA  }
0xb: {  	_ =	strace $0x80000047;
	s8 =	ssub.s32 s4, s8;
	s5 =	sadd.s32 s5, s6  }
0xc: {  	s7 =	sadd.s32 s7, s3;
	s3 =	sadd.s32 $0xF42A00, s3;
	s6 =	smax.u32 s8, $0x1  }
0xd: {  	s8 =	simm.s32 $0xC8;
	s4 =	sadd.s32 $0x600, s7;
	s7 =	simm.s32 $0x5  }
.LBB2_12:
0xe: {  	s20 =	sadd.s32 $0x1, s20  }
0xf: {  	p0 =	sne.s32 s20, s6  }
.Ltmp1:
0x10: {  	_ = 	snop;
	(pc) =	sbr.rel @!p0 .LBB2_13-.Ltmp1, $4  }
0x11: {  	[hbm4b:s5+s2] =	stream.linear.scatter [tilespmem:s19], [sflag:$0x5], $0x2000, $0x38;
	[tilespmem:$0x14C00] =	vst v63  }
0x12: {  	_ =	swait.ge [sflag:s7], $0x2000  }
0x13: {  	[sflag:s7] =	ssyncset.done $0x0  }
0x14: {  	[sflag:s7] =	ssyncadd.s32 $0xFFFFE000  }
.LBB2_1:
0x15: {  	[tilespmem:s2], [sflag:$0x5] =	stream.linear.gather [hbm4b:s4+s2], $0x6400, $0x38;
	[tilespmem:$0x14C00] =	vst v63  }
0x16: {  	_ =	swait.ge [sflag:s7], $0x6400  }
0x17: {  	[sflag:s7] =	ssyncset.done $0x0  }
0x18: {  	[sflag:s7] =	ssyncadd.s32 $0xFFFF9C00  }
0x19: {  	[tilespmem:s9], [sflag:$0x1] =	stream.indirect.gather [hbm4b:s3+s8], $0x40, s2, s8, $0xb8;
	[tilespmem:$0x14C00] =	vst v63  }
0x1a: {  	_ = 	snop  }
0x1b: {  	[tilespmem:s10], [sflag:$0x2] =	stream.indirect.gather [hbm4b:s3+s8], $0x40, s8, s8, $0xb8;
	[tilespmem:$0x14C00] =	vst v63  }
0x1c: {  	_ = 	snop  }
0x1d: {  	[tilespmem:s12], [sflag:$0x3] =	stream.indirect.gather [hbm4b:s3+s8], $0x40, s11, s8, $0xb8;
	[tilespmem:$0x14C00] =	vst v63  }
0x1e: {  	s21 =	simm.s32 $0x0  }
0x1f: {  	[tilespmem:s14], [sflag:$0x4] =	stream.indirect.gather [hbm4b:s3+s8], $0x40, s13, s8, $0xb8;
	[tilespmem:$0x14C00] =	vst v63  }
.LBB2_2:
0x20: {  	_ =	swait.ge [sflag:s15], $0x3200  }
0x21: {  	[sflag:s15] =	ssyncset.done $0x0  }
0x22: {  	s22 =	simm.s32 $0x0;
	[sflag:s15] =	ssyncadd.s32 $0xFFFFCE00  }
0x23: {  	v1 =	vld [tilespmem:s22+$0x6440]  }
0x24: {  	v0 =	vld [tilespmem:s22+$0x6450]  }
0x25: {  	v2 =	vld [tilespmem:s22+$0x6400]  }
0x26: {  	v5 =	vimm.f32 $0.0e+00;
	v3 =	vld [tilespmem:s22+$0x6410]  }
0x27: {  	s23 =	simm.s32 $0x200;
	v7 =	vimm.f32 $0.0e+00;
	v8 =	vimm.f32 $0.0e+00;
	v6 =	vimm.f32 $0.0e+00;
	v4 =	vld [tilespmem:s22+$0x6420]  }
.LBB2_3:
0x28: {  	p0 =	sne.s32 s23, $0xC600;
	v9 =	vld [tilespmem:s22+$0x6430];
	v10 =	vmov v1  }
0x29: {  	v11 =	vld [tilespmem:s22+$0x6460];
	v12 =	vmov v0  }
0x2a: {  	v13 =	vld [tilespmem:s22+$0x6470];
	s22 =	sshra.s32 s23, $0x2  }
.Ltmp2:
0x2b: {  	v1 =	vld [tilespmem:s22+$0x6440];
	(pc) =	sbr.rel @p0 .LBB2_3-.Ltmp2, $4  }
0x2c: {  	v5 =	vadd.f32 v2, v5;
	v7 =	vadd.f32 v3, v7;
	v0 =	vld [tilespmem:s22+$0x6450]  }
0x2d: {  	v8 =	vadd.f32 v4, v8;
	v2 =	vld [tilespmem:s22+$0x6400];
	v6 =	vadd.f32 v9, v6  }
0x2e: {  	v5 =	vadd.f32 v10, v5;
	v7 =	vadd.f32 v12, v7;
	v3 =	vld [tilespmem:s22+$0x6410]  }
0x2f: {  	s23 =	sadd.s32 $0x200, s23;
	v8 =	vadd.f32 v11, v8;
	v4 =	vld [tilespmem:s22+$0x6420];
	v6 =	vadd.f32 v13, v6  }
0x30: {  	v9 =	vld [tilespmem:s22+$0x6430]  }
0x31: {  	v10 =	vld [tilespmem:s22+$0x6460]  }
0x32: {  	v11 =	vld [tilespmem:s22+$0x6470];
	v2 =	vadd.f32 v2, v5  }
0x33: {  	v3 =	vadd.f32 v3, v7  }
0x34: {  	s31 =	sshll.u32 s21, $0x8;
	v4 =	vadd.f32 v4, v8;
	v1 =	vadd.f32 v1, v2  }
0x35: {  	p0 =	seq.s32 s21, $0x1F;
	s22 =	sand.u32 $0x3FFFFF00, s31;
	v2 =	vadd.f32 v9, v6;
	v0 =	vadd.f32 v0, v3  }
0x36: {  	s23 =	smul.u32 @!p0 $0xC80, s21;
	v3 =	vadd.f32 v10, v4;
	[tilespmem:s22+$0x12C00] =	vst v1  }
0x37: {  	v1 =	vadd.f32 v11, v2;
	[tilespmem:s22+$0x12C10] =	vst v0  }
0x38: {  	s23 =	sshra.s32 @!p0 s23, $0x2;
	[tilespmem:s22+$0x12C20] =	vst v3  }
0x39: {  	s25 =	simm.s32 @!p0 $0xC8;
	s26 =	simm.s32 @!p0 $0x6400;
	s24 =	sadd.s32 @!p0 $0x320, s23;
	[tilespmem:s22+$0x12C30] =	vst v1  }
0x3a: {  	[tilespmem:s26], [sflag:$0x1] =	stream.indirect.gather @!p0 [hbm4b:s3+s25], $0x40, s24, s25, $0xb8;
	[tilespmem:$0x14C00] =	vst v63  }
0x3b: {  	_ =	swait.ge [sflag:s16], $0x3200  }
0x3c: {  	[sflag:s16] =	ssyncset.done $0x0  }
0x3d: {  	s24 =	simm.s32 $0x0;
	[sflag:s16] =	ssyncadd.s32 $0xFFFFCE00  }
0x3e: {  	v1 =	vld [tilespmem:s24+$0x9640]  }
0x3f: {  	v0 =	vld [tilespmem:s24+$0x9650]  }
0x40: {  	v2 =	vld [tilespmem:s24+$0x9600]  }
0x41: {  	v5 =	vimm.f32 $0.0e+00;
	v3 =	vld [tilespmem:s24+$0x9610]  }
0x42: {  	v7 =	vimm.f32 $0.0e+00;
	v8 =	vimm.f32 $0.0e+00;
	v6 =	vimm.f32 $0.0e+00;
	s25 =	simm.s32 $0x200;
	v4 =	vld [tilespmem:s24+$0x9620]  }
.LBB2_5:
0x43: {  	p1 =	sne.s32 s25, $0xC600;
	v9 =	vld [tilespmem:s24+$0x9630];
	v10 =	vmov v1  }
0x44: {  	v11 =	vld [tilespmem:s24+$0x9660];
	v12 =	vmov v0  }
0x45: {  	v13 =	vld [tilespmem:s24+$0x9670];
	s24 =	sshra.s32 s25, $0x2  }
.Ltmp3:
0x46: {  	v1 =	vld [tilespmem:s24+$0x9640];
	(pc) =	sbr.rel @p1 .LBB2_5-.Ltmp3, $4  }
0x47: {  	v5 =	vadd.f32 v2, v5;
	v6 =	vadd.f32 v3, v6;
	v0 =	vld [tilespmem:s24+$0x9650]  }
0x48: {  	v8 =	vadd.f32 v4, v8;
	v2 =	vld [tilespmem:s24+$0x9600];
	v7 =	vadd.f32 v9, v7  }
0x49: {  	v5 =	vadd.f32 v10, v5;
	v6 =	vadd.f32 v12, v6;
	v3 =	vld [tilespmem:s24+$0x9610]  }
0x4a: {  	s25 =	sadd.s32 $0x200, s25;
	v8 =	vadd.f32 v11, v8;
	v4 =	vld [tilespmem:s24+$0x9620];
	v7 =	vadd.f32 v13, v7  }
0x4b: {  	v9 =	vld [tilespmem:s24+$0x9630]  }
0x4c: {  	v10 =	vld [tilespmem:s24+$0x9660]  }
0x4d: {  	v11 =	vld [tilespmem:s24+$0x9670];
	v2 =	vadd.f32 v2, v5  }
0x4e: {  	v3 =	vadd.f32 v3, v6  }
0x4f: {  	v4 =	vadd.f32 v4, v8;
	v1 =	vadd.f32 v1, v2  }
0x50: {  	v2 =	vadd.f32 v9, v7;
	v0 =	vadd.f32 v0, v3  }
0x51: {  	v3 =	vadd.f32 v10, v4;
	[tilespmem:s22+$0x12C40] =	vst v1  }
0x52: {  	v1 =	vadd.f32 v11, v2;
	[tilespmem:s22+$0x12C50] =	vst v0  }
0x53: {  	[tilespmem:s22+$0x12C60] =	vst v3  }
0x54: {  	s24 =	sadd.s32 @!p0 $0x3E8, s23;
	s25 =	simm.s32 @!p0 $0xC8;
	s26 =	simm.s32 @!p0 $0x9600;
	[tilespmem:s22+$0x12C70] =	vst v1  }
0x55: {  	[tilespmem:s26], [sflag:$0x2] =	stream.indirect.gather @!p0 [hbm4b:s3+s25], $0x40, s24, s25, $0xb8;
	[tilespmem:$0x14C00] =	vst v63  }
0x56: {  	_ =	swait.ge [sflag:s17], $0x3200  }
0x57: {  	[sflag:s17] =	ssyncset.done $0x0  }
0x58: {  	s24 =	simm.s32 $0x0;
	[sflag:s17] =	ssyncadd.s32 $0xFFFFCE00  }
0x59: {  	v1 =	vld [tilespmem:s24+$0xC840]  }
0x5a: {  	v0 =	vld [tilespmem:s24+$0xC850]  }
0x5b: {  	v2 =	vld [tilespmem:s24+$0xC800]  }
0x5c: {  	v5 =	vimm.f32 $0.0e+00;
	v3 =	vld [tilespmem:s24+$0xC810]  }
0x5d: {  	v6 =	vimm.f32 $0.0e+00;
	v8 =	vimm.f32 $0.0e+00;
	v7 =	vimm.f32 $0.0e+00;
	s25 =	simm.s32 $0x200;
	v4 =	vld [tilespmem:s24+$0xC820]  }
.LBB2_7:
0x5e: {  	p1 =	sne.s32 s25, $0xC600;
	v9 =	vld [tilespmem:s24+$0xC830];
	v10 =	vmov v1  }
0x5f: {  	v11 =	vld [tilespmem:s24+$0xC860];
	v12 =	vmov v0  }
0x60: {  	v13 =	vld [tilespmem:s24+$0xC870];
	s24 =	sshra.s32 s25, $0x2  }
.Ltmp4:
0x61: {  	v1 =	vld [tilespmem:s24+$0xC840];
	(pc) =	sbr.rel @p1 .LBB2_7-.Ltmp4, $4  }
0x62: {  	v5 =	vadd.f32 v2, v5;
	v6 =	vadd.f32 v3, v6;
	v0 =	vld [tilespmem:s24+$0xC850]  }
0x63: {  	v8 =	vadd.f32 v4, v8;
	v2 =	vld [tilespmem:s24+$0xC800];
	v7 =	vadd.f32 v9, v7  }
0x64: {  	v5 =	vadd.f32 v10, v5;
	v6 =	vadd.f32 v12, v6;
	v3 =	vld [tilespmem:s24+$0xC810]  }
0x65: {  	s25 =	sadd.s32 $0x200, s25;
	v8 =	vadd.f32 v11, v8;
	v4 =	vld [tilespmem:s24+$0xC820];
	v7 =	vadd.f32 v13, v7  }
0x66: {  	v9 =	vld [tilespmem:s24+$0xC830]  }
0x67: {  	v10 =	vld [tilespmem:s24+$0xC860]  }
0x68: {  	v11 =	vld [tilespmem:s24+$0xC870];
	v2 =	vadd.f32 v2, v5  }
0x69: {  	v3 =	vadd.f32 v3, v6  }
0x6a: {  	v4 =	vadd.f32 v4, v8;
	v1 =	vadd.f32 v1, v2  }
0x6b: {  	v2 =	vadd.f32 v9, v7;
	v0 =	vadd.f32 v0, v3  }
0x6c: {  	v3 =	vadd.f32 v10, v4;
	[tilespmem:s22+$0x12C80] =	vst v1  }
0x6d: {  	v1 =	vadd.f32 v11, v2;
	[tilespmem:s22+$0x12C90] =	vst v0  }
0x6e: {  	[tilespmem:s22+$0x12CA0] =	vst v3  }
0x6f: {  	s23 =	sadd.s32 @!p0 $0x4B0, s23;
	s24 =	simm.s32 @!p0 $0xC8;
	s25 =	simm.s32 @!p0 $0xC800;
	[tilespmem:s22+$0x12CB0] =	vst v1  }
0x70: {  	[tilespmem:s25], [sflag:$0x3] =	stream.indirect.gather @!p0 [hbm4b:s3+s24], $0x40, s23, s24, $0xb8;
	[tilespmem:$0x14C00] =	vst v63  }
0x71: {  	_ =	swait.ge [sflag:s18], $0x3200  }
0x72: {  	[sflag:s18] =	ssyncset.done $0x0  }
0x73: {  	s23 =	simm.s32 $0x0;
	[sflag:s18] =	ssyncadd.s32 $0xFFFFCE00  }
0x74: {  	v1 =	vld [tilespmem:s23+$0xFA40]  }
0x75: {  	v0 =	vld [tilespmem:s23+$0xFA50]  }
0x76: {  	v2 =	vld [tilespmem:s23+$0xFA00]  }
0x77: {  	v5 =	vimm.f32 $0.0e+00;
	v3 =	vld [tilespmem:s23+$0xFA10]  }
0x78: {  	v6 =	vimm.f32 $0.0e+00;
	v8 =	vimm.f32 $0.0e+00;
	v7 =	vimm.f32 $0.0e+00;
	s24 =	simm.s32 $0x200;
	v4 =	vld [tilespmem:s23+$0xFA20]  }
.LBB2_9:
0x79: {  	p1 =	sne.s32 s24, $0xC600;
	v9 =	vld [tilespmem:s23+$0xFA30];
	v10 =	vmov v1  }
0x7a: {  	v11 =	vld [tilespmem:s23+$0xFA60];
	v12 =	vmov v0  }
0x7b: {  	v13 =	vld [tilespmem:s23+$0xFA70];
	s23 =	sshra.s32 s24, $0x2  }
.Ltmp5:
0x7c: {  	v1 =	vld [tilespmem:s23+$0xFA40];
	(pc) =	sbr.rel @p1 .LBB2_9-.Ltmp5, $4  }
0x7d: {  	v5 =	vadd.f32 v2, v5;
	v6 =	vadd.f32 v3, v6;
	v0 =	vld [tilespmem:s23+$0xFA50]  }
0x7e: {  	v8 =	vadd.f32 v4, v8;
	v2 =	vld [tilespmem:s23+$0xFA00];
	v7 =	vadd.f32 v9, v7  }
0x7f: {  	v5 =	vadd.f32 v10, v5;
	v6 =	vadd.f32 v12, v6;
	v3 =	vld [tilespmem:s23+$0xFA10]  }
0x80: {  	s24 =	sadd.s32 $0x200, s24;
	v8 =	vadd.f32 v11, v8;
	v4 =	vld [tilespmem:s23+$0xFA20];
	v7 =	vadd.f32 v13, v7  }
0x81: {  	v9 =	vld [tilespmem:s23+$0xFA30]  }
0x82: {  	v10 =	vld [tilespmem:s23+$0xFA60]  }
0x83: {  	v11 =	vld [tilespmem:s23+$0xFA70];
	v2 =	vadd.f32 v2, v5  }
0x84: {  	v3 =	vadd.f32 v3, v6  }
0x85: {  	v4 =	vadd.f32 v4, v8;
	v1 =	vadd.f32 v1, v2  }
.Ltmp6:
0x86: {  	v61 =	vadd.f32 v9, v7;
	v0 =	vadd.f32 v0, v3;
	(pc) =	sbr.rel @p0 .LBB2_12-.Ltmp6, $4  }
0x87: {  	v62 =	vadd.f32 v10, v4;
	[tilespmem:s22+$0x12CC0] =	vst v1  }
0x88: {  	v63 =	vadd.f32 v11, v61;
	[tilespmem:s22+$0x12CD0] =	vst v0  }
0x89: {  	[tilespmem:s22+$0x12CE0] =	vst v62  }
0x8a: {  	[tilespmem:s22+$0x12CF0] =	vst v63  }
0x8b: {  	s22 =	smul.u32 $0xC80, s21  }
.Ltmp7:
0x8c: {  	_ = 	snop;
	(pc) =	sbr.rel .LBB2_2-.Ltmp7, $4  }
0x8d: {  	_ = 	snop  }
0x8e: {  	s22 =	sshra.s32 s22, $0x2  }
0x8f: {  	s21 =	sadd.s32 $0x1, s21;
	s22 =	sadd.s32 $0x578, s22  }
0x90: {  	[tilespmem:s14], [sflag:$0x4] =	stream.indirect.gather [hbm4b:s3+s8], $0x40, s22, s8, $0xb8;
	[tilespmem:$0x14C00] =	vst v63  }
.LBB2_13:
0x91: {  	_ =	sfence.sel $0x180000  }
0x92: {  	[bflag:$0x0] =	sbarrier.arrive $0xFFFF  }
0x93: {  	p0 =	sne.s32 s0, $0x0;
	_ =	strace $0x90000047  }
0x94: {  	s0 =	sadd.s32 @!p0 $0x100000, s1;
	[bflag:$0x2] =	sbarrier.arrive $0xFFFF  }
0x95: {  	[sflag:s0] =	ssyncadd.tile.s32 @!p0 $0x1;
	_ =	shalt  }
.Lfunc_end2:
_tile_overlayer_lowered:
.L_overlay_start_2:
0x96: {  	(tag) =	ssettag $0x2  }
0x97: {  	s0 =	rddreg [dreg:$0x0];
	s2 =	stileid.u32  }
0x98: {  	s1 =	rddreg [dreg:$0x1];
	p0 =	sne.s32 s2, $0x0  }
0x99: {  	s3 =	rddreg [dreg:$0x2];
	[bflag:$0x3] =	sbarrier.arrive $0xFFFF;
	s2 =	simm.s32 @!p0 $0x1C05  }
0x9a: {  	[timem:s3], [sflag:s2] =	dma.local @!p0 [hbm:s0], s1  }
0x9b: {  	s0 =	simm.s32 @!p0 $0x5  }
0x9c: {  	_ =	swait.ge @!p0 [sflag:s0], s1  }
0x9d: {  	s1 =	ssub.s32 @!p0 $0x0, s1;
	[sflag:s0] =	ssyncset.done @!p0 $0x0  }
0x9e: {  	[sflag:s0] =	ssyncadd.s32 @!p0 s1  }
0x9f: {  	[bflag:$0x3] =	sbarrier.arrive $0xFFFF  }
0xa0: {  	_ =	shalt  }

</sc_bundles>
